<compile_context>
chip_gen: v7x
topology: tpu7x:2x2x1
jax: 0.10.2.dev20260603
libtpu: 0.0.44.dev20260713+nightly
codegen_flags: <defaults>
</compile_context>

<pallas_src>
import functools

import jax
import jax.numpy as jnp
from jax import lax
from jax.experimental import pallas as pl
from jax.experimental.pallas import tpu as pltpu
from jax.experimental.pallas import tpu_sc as plsc

N_VOCAB = 1000000
D_EMB = 64
BATCH = 4
SEQ = 4096
B_TOTAL = BATCH * SEQ

_info = plsc.get_sparse_core_info()
_NC = _info.num_cores
_NS = _info.num_subcores
_NW = _NC * _NS
_BPW = B_TOTAL // _NW
_LANES = 16
_VPR = D_EMB // _LANES
_HALF = _BPW // 2


def _make_sc_kernel():
    mesh = plsc.VectorSubcoreMesh(core_axis_name="c", subcore_axis_name="s")

    @functools.partial(
        pl.kernel,
        mesh=mesh,
        compiler_params=pltpu.CompilerParams(needs_layout_passes=False),
        out_type=jax.ShapeDtypeStruct((B_TOTAL, D_EMB), jnp.float32),
        scratch_types=[
            pltpu.VMEM((_BPW,), jnp.int32),
            pltpu.VMEM((_BPW, D_EMB), jnp.float32),
            pltpu.VMEM((_HALF, D_EMB), jnp.float32),
            pltpu.SemaphoreType.DMA,
            pltpu.SemaphoreType.DMA,
        ],
    )
    def emb_kernel(ids_hbm, table_hbm, pe_hbm, out_hbm,
                   ids_v, rows_v, pe_v, sem, pe_sem):
        wid = lax.axis_index("s") * _NC + lax.axis_index("c")
        base = wid * _BPW
        pos_base = lax.rem(base, SEQ)

        pe_dma = pltpu.async_copy(
            pe_hbm.at[pl.ds(pos_base, _HALF)], pe_v, pe_sem)
        pltpu.sync_copy(ids_hbm.at[pl.ds(base, _BPW)], ids_v)

        iota = lax.iota(jnp.int32, _LANES)

        def fire(gi, carry):
            v = ids_v[pl.ds(gi * _LANES, _LANES)]
            for l in range(_LANES):
                rid = jnp.sum(jnp.where(iota == l, v, 0))
                pltpu.async_copy(
                    table_hbm.at[pl.ds(rid, 1)],
                    rows_v.at[pl.ds(gi * _LANES + l, 1)], sem)
            return carry

        lax.fori_loop(0, _BPW // _LANES, fire, 0)

        pltpu.make_async_copy(
            table_hbm.at[pl.ds(0, _BPW)], rows_v, sem).wait()
        pe_dma.wait()

        def compute0(r, carry):
            for j in range(_VPR):
                sl = pl.ds(j * _LANES, _LANES)
                rows_v[r, sl] = (rows_v[r, sl] + pe_v[r, sl]) * 8.0
            return carry

        lax.fori_loop(0, _HALF, compute0, 0)

        out0 = pltpu.async_copy(
            rows_v.at[pl.ds(0, _HALF)],
            out_hbm.at[pl.ds(base, _HALF)], sem)
        pltpu.sync_copy(pe_hbm.at[pl.ds(pos_base + _HALF, _HALF)], pe_v)

        def compute1(r, carry):
            for j in range(_VPR):
                sl = pl.ds(j * _LANES, _LANES)
                rows_v[_HALF + r, sl] = (rows_v[_HALF + r, sl]
                                         + pe_v[r, sl]) * 8.0
            return carry

        lax.fori_loop(0, _HALF, compute1, 0)

        out0.wait()
        pltpu.sync_copy(
            rows_v.at[pl.ds(_HALF, _HALF)],
            out_hbm.at[pl.ds(base + _HALF, _HALF)])

    return emb_kernel


_emb_kernel = _make_sc_kernel()


@jax.jit
def kernel(input_ids, w, pos_encoding):
    flat_ids = input_ids.reshape(-1)
    pe2d = pos_encoding.reshape(pos_encoding.shape[1], D_EMB)
    out = _emb_kernel(flat_ids, w, pe2d)
    return out.reshape(BATCH, SEQ, D_EMB)

# --- scband reference (transcript-rebuilt; emitter-appended) ---
"""Pipeline reference for scband-embeddings-18726057411152 (READ-ONLY COPY).

The authoritative reference and input builder live on the scoring server;
editing this copy changes nothing except your own understanding.
"""

import jax, jax.numpy as jnp
import numpy as np

N_VOCAB = 1000000
D_EMB = 64
MAX_LEN = 5000
BATCH = 4
SEQ = 4096


def _make_pos_encoding():
    pos = np.arange(0, MAX_LEN, dtype=np.float32)[:, None]
    div_term = np.power(10000.0, -np.arange(0, D_EMB, 2, dtype=np.float32) / D_EMB)
    pe = np.zeros((MAX_LEN, D_EMB), dtype=np.float32)
    pe[:, 0::2] = np.sin(pos * div_term)
    pe[:, 1::2] = np.cos(pos * div_term)
    return jnp.asarray(pe[None, :, :])  # [1, MAX_LEN, D]


def setup_inputs(seed: int = 0) -> dict:
    key = jax.random.key(seed)
    k_ids, k_w = jax.random.split(key)
    input_ids = jax.random.randint(k_ids, (BATCH, SEQ), 0, N_VOCAB, dtype=jnp.int32)
    w = jax.random.normal(k_w, (N_VOCAB, D_EMB), dtype=jnp.float32) * 0.02
    pos_encoding = _make_pos_encoding()
    return {"input_ids": input_ids, "w": w, "pos_encoding": pos_encoding}


def reference(input_ids, w, pos_encoding):
    batch_size, seq_length = input_ids.shape
    flat_ids = input_ids.reshape(-1)
    embeddings = jnp.take(w, flat_ids, axis=0).reshape(batch_size, seq_length, D_EMB)
    embeddings = embeddings + pos_encoding[:, :seq_length, :]
    embeddings = embeddings * (D_EMB ** 0.5)
    return embeddings

if __name__ == "__main__":
    import jax
    _d = setup_inputs()
    print(jax.jit(kernel)(*tuple(_d.values())))

</pallas_src>

<mosaic_0001>
#map = affine_map<(d0, d1) -> (0)>
#map1 = affine_map<(d0, d1) -> (0, 0)>
module attributes {stable_mosaic.version = 14 : i64} {
  func.func @emb_kernel(%arg0: i32, %arg1: i32, %arg2: memref<16384xi32, #tpu.memory_space<hbm>>, %arg3: memref<1000000x64xf32, #tpu.memory_space<hbm>>, %arg4: memref<5000x64xf32, #tpu.memory_space<hbm>>, %arg5: memref<16384x64xf32, #tpu.memory_space<hbm>>, %arg6: memref<512xi32, #tpu.memory_space<vmem>>, %arg7: memref<512x64xf32, #tpu.memory_space<vmem>>, %arg8: memref<256x64xf32, #tpu.memory_space<vmem>>, %arg9: memref<!tpu.dma_semaphore, #tpu.memory_space<semaphore_mem>>, %arg10: memref<!tpu.dma_semaphore, #tpu.memory_space<semaphore_mem>>) attributes {dimension_semantics = [#tpu.dimension_semantics<core_parallel>, #tpu.dimension_semantics<subcore_parallel>], iteration_bounds = array<i64: 2, 16>, scalar_prefetch = 0 : i64, scratch_operands = 5 : i64, tpu.core_type = #tpu.core_type<sc_vector_subcore>, window_params = [{transform_indices = #map}, {transform_indices = #map1}, {transform_indices = #map1}, {transform_indices = #map1}]} {
    %mul3A = arith.constant 2 : i32
    %mul3A_0 = arith.muli %arg1, %mul3A : i32
    %add3A = arith.addi %mul3A_0, %arg0 : i32
    %mul3A_1 = arith.constant 512 : i32
    %mul3A_2 = arith.muli %add3A, %mul3A_1 : i32
    %rem3A = arith.constant 4096 : i32
    %rem3A_3 = arith.remsi %mul3A_2, %rem3A : i32
    %dma_start3A = arith.constant 0 : i32
    %dma_start3A_4 = tpu.memref_slice %arg4[%rem3A_3, %dma_start3A] : memref<5000x64xf32, #tpu.memory_space<hbm>> -> memref<256x64xf32, #tpu.memory_space<hbm>>
    %dma_start3A_5 = arith.constant 0 : i32
    %dma_start3A_6 = tpu.memref_slice %arg4[%rem3A_3, %dma_start3A_5] : memref<5000x64xf32, #tpu.memory_space<hbm>> -> memref<256x64xf32, #tpu.memory_space<hbm>>
    tpu.enqueue_dma source(%dma_start3A_6 : memref<256x64xf32, #tpu.memory_space<hbm>>) target(%arg8 : memref<256x64xf32, #tpu.memory_space<vmem>>) target_semaphore(%arg10 : memref<!tpu.dma_semaphore, #tpu.memory_space<semaphore_mem>>)
    "tpu.region"() ({
      %run_scoped3A = tpu.sem_alloc : memref<!tpu.dma_semaphore, #tpu.memory_space<semaphore_mem>>
      %dma_start3A_57 = tpu.memref_slice %arg2[%mul3A_2] : memref<16384xi32, #tpu.memory_space<hbm>> -> memref<512xi32, #tpu.memory_space<hbm>>
      %dma_start3A_58 = tpu.memref_slice %arg2[%mul3A_2] : memref<16384xi32, #tpu.memory_space<hbm>> -> memref<512xi32, #tpu.memory_space<hbm>>
      tpu.enqueue_dma source(%dma_start3A_58 : memref<512xi32, #tpu.memory_space<hbm>>) target(%arg6 : memref<512xi32, #tpu.memory_space<vmem>>) target_semaphore(%run_scoped3A : memref<!tpu.dma_semaphore, #tpu.memory_space<semaphore_mem>>)
      %dma_wait3A_59 = tpu.memref_slice %arg2[%mul3A_2] : memref<16384xi32, #tpu.memory_space<hbm>> -> memref<512xi32, #tpu.memory_space<hbm>>
      %dma_wait3A_60 = tpu.memref_slice %arg2[%mul3A_2] : memref<16384xi32, #tpu.memory_space<hbm>> -> memref<512xi32, #tpu.memory_space<hbm>>
      tpu.wait_dma2 semaphore(%run_scoped3A : memref<!tpu.dma_semaphore, #tpu.memory_space<semaphore_mem>>) src(%dma_wait3A_60 : memref<512xi32, #tpu.memory_space<hbm>>) dst(%arg6 : memref<512xi32, #tpu.memory_space<vmem>>)
      tpu.yield
    }) : () -> ()
    %iota3A = tpu.iota {dimensions = array<i32: 0>} : vector<16xi32>
    %scan3A = arith.constant 0 : i32
    %scan3A_7 = arith.constant 0 : i32
    %scan3A_8 = arith.constant 32 : i32
    %scan3A_9 = arith.addi %scan3A_7, %scan3A_8 : i32
    %scan3A_10 = arith.constant 1 : i32
    scf.for %scan3A_57 = %scan3A_7 to %scan3A_9 step %scan3A_10  : i32 {
      %mul3A_58 = arith.constant 16 : i32
      %mul3A_59 = arith.muli %scan3A_57, %mul3A_58 : i32
      %get3A = arith.index_cast %mul3A_59 : i32 to index
      %get3A_60 = tpu.vector_load %arg6[%get3A] {strides = array<i32>} : memref<512xi32, #tpu.memory_space<vmem>>, vector<16xi32>,
      %eq3A = arith.constant 0 : i32
      %eq3A_61 = vector.broadcast %eq3A : i32 to vector<16xi32>
      %eq3A_62 = arith.cmpi eq, %iota3A, %eq3A_61 : vector<16xi32>
      %jit3A = arith.constant 0 : i32
      %broadcast_in_dim3A = vector.broadcast %jit3A : i32 to vector<16xi32>
      %select_n3A = arith.select %eq3A_62, %get3A_60, %broadcast_in_dim3A : vector<16xi1>, vector<16xi32>
      %reduce_sum3A = arith.constant true
      %reduce_sum3A_63 = vector.broadcast %reduce_sum3A : i1 to vector<16xi1>
      %reduce_sum3A_64 = tpu.scan <sum>, %select_n3A masked %reduce_sum3A_63 : vector<16xi32>, vector<16xi1> -> vector<16xi32>
      %reduce_sum3A_65 = vector.extract %reduce_sum3A_64[15] : i32 from vector<16xi32>
      %mul3A_66 = arith.constant 16 : i32
      %mul3A_67 = arith.muli %scan3A_57, %mul3A_66 : i32
      %add3A_68 = arith.constant 0 : i32
      %add3A_69 = arith.addi %mul3A_67, %add3A_68 : i32
      %dma_start3A_70 = arith.constant 0 : i32
      %dma_start3A_71 = tpu.memref_slice %arg7[%add3A_69, %dma_start3A_70] : memref<512x64xf32, #tpu.memory_space<vmem>> -> memref<1x64xf32, #tpu.memory_space<vmem>>
      %dma_start3A_72 = arith.constant 0 : i32
      %dma_start3A_73 = tpu.memref_slice %arg3[%reduce_sum3A_65, %dma_start3A_72] : memref<1000000x64xf32, #tpu.memory_space<hbm>> -> memref<1x64xf32, #tpu.memory_space<hbm>>
      %dma_start3A_74 = arith.constant 0 : i32
      %dma_start3A_75 = tpu.memref_slice %arg7[%add3A_69, %dma_start3A_74] : memref<512x64xf32, #tpu.memory_space<vmem>> -> memref<1x64xf32, #tpu.memory_space<vmem>>
      %dma_start3A_76 = arith.constant 0 : i32
      %dma_start3A_77 = tpu.memref_slice %arg3[%reduce_sum3A_65, %dma_start3A_76] : memref<1000000x64xf32, #tpu.memory_space<hbm>> -> memref<1x64xf32, #tpu.memory_space<hbm>>
      tpu.enqueue_dma source(%dma_start3A_77 : memref<1x64xf32, #tpu.memory_space<hbm>>) target(%dma_start3A_75 : memref<1x64xf32, #tpu.memory_space<vmem>>) target_semaphore(%arg9 : memref<!tpu.dma_semaphore, #tpu.memory_space<semaphore_mem>>)
      %eq3A_78 = arith.constant 1 : i32
      %eq3A_79 = vector.broadcast %eq3A_78 : i32 to vector<16xi32>
      %eq3A_80 = arith.cmpi eq, %iota3A, %eq3A_79 : vector<16xi32>
      %jit3A_81 = arith.constant 0 : i32
      %broadcast_in_dim3A_82 = vector.broadcast %jit3A_81 : i32 to vector<16xi32>
      %select_n3A_83 = arith.select %eq3A_80, %get3A_60, %broadcast_in_dim3A_82 : vector<16xi1>, vector<16xi32>
      %reduce_sum3A_84 = arith.constant true
      %reduce_sum3A_85 = vector.broadcast %reduce_sum3A_84 : i1 to vector<16xi1>
      %reduce_sum3A_86 = tpu.scan <sum>, %select_n3A_83 masked %reduce_sum3A_85 : vector<16xi32>, vector<16xi1> -> vector<16xi32>
      %reduce_sum3A_87 = vector.extract %reduce_sum3A_86[15] : i32 from vector<16xi32>
      %mul3A_88 = arith.constant 16 : i32
      %mul3A_89 = arith.muli %scan3A_57, %mul3A_88 : i32
      %add3A_90 = arith.constant 1 : i32
      %add3A_91 = arith.addi %mul3A_89, %add3A_90 : i32
      %dma_start3A_92 = arith.constant 0 : i32
      %dma_start3A_93 = tpu.memref_slice %arg7[%add3A_91, %dma_start3A_92] : memref<512x64xf32, #tpu.memory_space<vmem>> -> memref<1x64xf32, #tpu.memory_space<vmem>>
      %dma_start3A_94 = arith.constant 0 : i32
      %dma_start3A_95 = tpu.memref_slice %arg3[%reduce_sum3A_87, %dma_start3A_94] : memref<1000000x64xf32, #tpu.memory_space<hbm>> -> memref<1x64xf32, #tpu.memory_space<hbm>>
      %dma_start3A_96 = arith.constant 0 : i32
      %dma_start3A_97 = tpu.memref_slice %arg7[%add3A_91, %dma_start3A_96] : memref<512x64xf32, #tpu.memory_space<vmem>> -> memref<1x64xf32, #tpu.memory_space<vmem>>
      %dma_start3A_98 = arith.constant 0 : i32
      %dma_start3A_99 = tpu.memref_slice %arg3[%reduce_sum3A_87, %dma_start3A_98] : memref<1000000x64xf32, #tpu.memory_space<hbm>> -> memref<1x64xf32, #tpu.memory_space<hbm>>
      tpu.enqueue_dma source(%dma_start3A_99 : memref<1x64xf32, #tpu.memory_space<hbm>>) target(%dma_start3A_97 : memref<1x64xf32, #tpu.memory_space<vmem>>) target_semaphore(%arg9 : memref<!tpu.dma_semaphore, #tpu.memory_space<semaphore_mem>>)
      %eq3A_100 = arith.constant 2 : i32
      %eq3A_101 = vector.broadcast %eq3A_100 : i32 to vector<16xi32>
      %eq3A_102 = arith.cmpi eq, %iota3A, %eq3A_101 : vector<16xi32>
      %jit3A_103 = arith.constant 0 : i32
      %broadcast_in_dim3A_104 = vector.broadcast %jit3A_103 : i32 to vector<16xi32>
      %select_n3A_105 = arith.select %eq3A_102, %get3A_60, %broadcast_in_dim3A_104 : vector<16xi1>, vector<16xi32>
      %reduce_sum3A_106 = arith.constant true
      %reduce_sum3A_107 = vector.broadcast %reduce_sum3A_106 : i1 to vector<16xi1>
      %reduce_sum3A_108 = tpu.scan <sum>, %select_n3A_105 masked %reduce_sum3A_107 : vector<16xi32>, vector<16xi1> -> vector<16xi32>
      %reduce_sum3A_109 = vector.extract %reduce_sum3A_108[15] : i32 from vector<16xi32>
      %mul3A_110 = arith.constant 16 : i32
      %mul3A_111 = arith.muli %scan3A_57, %mul3A_110 : i32
      %add3A_112 = arith.constant 2 : i32
      %add3A_113 = arith.addi %mul3A_111, %add3A_112 : i32
      %dma_start3A_114 = arith.constant 0 : i32
      %dma_start3A_115 = tpu.memref_slice %arg7[%add3A_113, %dma_start3A_114] : memref<512x64xf32, #tpu.memory_space<vmem>> -> memref<1x64xf32, #tpu.memory_space<vmem>>
      %dma_start3A_116 = arith.constant 0 : i32
      %dma_start3A_117 = tpu.memref_slice %arg3[%reduce_sum3A_109, %dma_start3A_116] : memref<1000000x64xf32, #tpu.memory_space<hbm>> -> memref<1x64xf32, #tpu.memory_space<hbm>>
      %dma_start3A_118 = arith.constant 0 : i32
      %dma_start3A_119 = tpu.memref_slice %arg7[%add3A_113, %dma_start3A_118] : memref<512x64xf32, #tpu.memory_space<vmem>> -> memref<1x64xf32, #tpu.memory_space<vmem>>
      %dma_start3A_120 = arith.constant 0 : i32
      %dma_start3A_121 = tpu.memref_slice %arg3[%reduce_sum3A_109, %dma_start3A_120] : memref<1000000x64xf32, #tpu.memory_space<hbm>> -> memref<1x64xf32, #tpu.memory_space<hbm>>
      tpu.enqueue_dma source(%dma_start3A_121 : memref<1x64xf32, #tpu.memory_space<hbm>>) target(%dma_start3A_119 : memref<1x64xf32, #tpu.memory_space<vmem>>) target_semaphore(%arg9 : memref<!tpu.dma_semaphore, #tpu.memory_space<semaphore_mem>>)
      %eq3A_122 = arith.constant 3 : i32
      %eq3A_123 = vector.broadcast %eq3A_122 : i32 to vector<16xi32>
      %eq3A_124 = arith.cmpi eq, %iota3A, %eq3A_123 : vector<16xi32>
      %jit3A_125 = arith.constant 0 : i32
      %broadcast_in_dim3A_126 = vector.broadcast %jit3A_125 : i32 to vector<16xi32>
      %select_n3A_127 = arith.select %eq3A_124, %get3A_60, %broadcast_in_dim3A_126 : vector<16xi1>, vector<16xi32>
      %reduce_sum3A_128 = arith.constant true
      %reduce_sum3A_129 = vector.broadcast %reduce_sum3A_128 : i1 to vector<16xi1>
      %reduce_sum3A_130 = tpu.scan <sum>, %select_n3A_127 masked %reduce_sum3A_129 : vector<16xi32>, vector<16xi1> -> vector<16xi32>
      %reduce_sum3A_131 = vector.extract %reduce_sum3A_130[15] : i32 from vector<16xi32>
      %mul3A_132 = arith.constant 16 : i32
      %mul3A_133 = arith.muli %scan3A_57, %mul3A_132 : i32
      %add3A_134 = arith.constant 3 : i32
      %add3A_135 = arith.addi %mul3A_133, %add3A_134 : i32
      %dma_start3A_136 = arith.constant 0 : i32
      %dma_start3A_137 = tpu.memref_slice %arg7[%add3A_135, %dma_start3A_136] : memref<512x64xf32, #tpu.memory_space<vmem>> -> memref<1x64xf32, #tpu.memory_space<vmem>>
      %dma_start3A_138 = arith.constant 0 : i32
      %dma_start3A_139 = tpu.memref_slice %arg3[%reduce_sum3A_131, %dma_start3A_138] : memref<1000000x64xf32, #tpu.memory_space<hbm>> -> memref<1x64xf32, #tpu.memory_space<hbm>>
      %dma_start3A_140 = arith.constant 0 : i32
      %dma_start3A_141 = tpu.memref_slice %arg7[%add3A_135, %dma_start3A_140] : memref<512x64xf32, #tpu.memory_space<vmem>> -> memref<1x64xf32, #tpu.memory_space<vmem>>
      %dma_start3A_142 = arith.constant 0 : i32
      %dma_start3A_143 = tpu.memref_slice %arg3[%reduce_sum3A_131, %dma_start3A_142] : memref<1000000x64xf32, #tpu.memory_space<hbm>> -> memref<1x64xf32, #tpu.memory_space<hbm>>
      tpu.enqueue_dma source(%dma_start3A_143 : memref<1x64xf32, #tpu.memory_space<hbm>>) target(%dma_start3A_141 : memref<1x64xf32, #tpu.memory_space<vmem>>) target_semaphore(%arg9 : memref<!tpu.dma_semaphore, #tpu.memory_space<semaphore_mem>>)
      %eq3A_144 = arith.constant 4 : i32
      %eq3A_145 = vector.broadcast %eq3A_144 : i32 to vector<16xi32>
      %eq3A_146 = arith.cmpi eq, %iota3A, %eq3A_145 : vector<16xi32>
      %jit3A_147 = arith.constant 0 : i32
      %broadcast_in_dim3A_148 = vector.broadcast %jit3A_147 : i32 to vector<16xi32>
      %select_n3A_149 = arith.select %eq3A_146, %get3A_60, %broadcast_in_dim3A_148 : vector<16xi1>, vector<16xi32>
      %reduce_sum3A_150 = arith.constant true
      %reduce_sum3A_151 = vector.broadcast %reduce_sum3A_150 : i1 to vector<16xi1>
      %reduce_sum3A_152 = tpu.scan <sum>, %select_n3A_149 masked %reduce_sum3A_151 : vector<16xi32>, vector<16xi1> -> vector<16xi32>
      %reduce_sum3A_153 = vector.extract %reduce_sum3A_152[15] : i32 from vector<16xi32>
      %mul3A_154 = arith.constant 16 : i32
      %mul3A_155 = arith.muli %scan3A_57, %mul3A_154 : i32
      %add3A_156 = arith.constant 4 : i32
      %add3A_157 = arith.addi %mul3A_155, %add3A_156 : i32
      %dma_start3A_158 = arith.constant 0 : i32
      %dma_start3A_159 = tpu.memref_slice %arg7[%add3A_157, %dma_start3A_158] : memref<512x64xf32, #tpu.memory_space<vmem>> -> memref<1x64xf32, #tpu.memory_space<vmem>>
      %dma_start3A_160 = arith.constant 0 : i32
      %dma_start3A_161 = tpu.memref_slice %arg3[%reduce_sum3A_153, %dma_start3A_160] : memref<1000000x64xf32, #tpu.memory_space<hbm>> -> memref<1x64xf32, #tpu.memory_space<hbm>>
      %dma_start3A_162 = arith.constant 0 : i32
      %dma_start3A_163 = tpu.memref_slice %arg7[%add3A_157, %dma_start3A_162] : memref<512x64xf32, #tpu.memory_space<vmem>> -> memref<1x64xf32, #tpu.memory_space<vmem>>
      %dma_start3A_164 = arith.constant 0 : i32
      %dma_start3A_165 = tpu.memref_slice %arg3[%reduce_sum3A_153, %dma_start3A_164] : memref<1000000x64xf32, #tpu.memory_space<hbm>> -> memref<1x64xf32, #tpu.memory_space<hbm>>
      tpu.enqueue_dma source(%dma_start3A_165 : memref<1x64xf32, #tpu.memory_space<hbm>>) target(%dma_start3A_163 : memref<1x64xf32, #tpu.memory_space<vmem>>) target_semaphore(%arg9 : memref<!tpu.dma_semaphore, #tpu.memory_space<semaphore_mem>>)
      %eq3A_166 = arith.constant 5 : i32
      %eq3A_167 = vector.broadcast %eq3A_166 : i32 to vector<16xi32>
      %eq3A_168 = arith.cmpi eq, %iota3A, %eq3A_167 : vector<16xi32>
      %jit3A_169 = arith.constant 0 : i32
      %broadcast_in_dim3A_170 = vector.broadcast %jit3A_169 : i32 to vector<16xi32>
      %select_n3A_171 = arith.select %eq3A_168, %get3A_60, %broadcast_in_dim3A_170 : vector<16xi1>, vector<16xi32>
      %reduce_sum3A_172 = arith.constant true
      %reduce_sum3A_173 = vector.broadcast %reduce_sum3A_172 : i1 to vector<16xi1>
      %reduce_sum3A_174 = tpu.scan <sum>, %select_n3A_171 masked %reduce_sum3A_173 : vector<16xi32>, vector<16xi1> -> vector<16xi32>
      %reduce_sum3A_175 = vector.extract %reduce_sum3A_174[15] : i32 from vector<16xi32>
      %mul3A_176 = arith.constant 16 : i32
      %mul3A_177 = arith.muli %scan3A_57, %mul3A_176 : i32
      %add3A_178 = arith.constant 5 : i32
      %add3A_179 = arith.addi %mul3A_177, %add3A_178 : i32
      %dma_start3A_180 = arith.constant 0 : i32
      %dma_start3A_181 = tpu.memref_slice %arg7[%add3A_179, %dma_start3A_180] : memref<512x64xf32, #tpu.memory_space<vmem>> -> memref<1x64xf32, #tpu.memory_space<vmem>>
      %dma_start3A_182 = arith.constant 0 : i32
      %dma_start3A_183 = tpu.memref_slice %arg3[%reduce_sum3A_175, %dma_start3A_182] : memref<1000000x64xf32, #tpu.memory_space<hbm>> -> memref<1x64xf32, #tpu.memory_space<hbm>>
      %dma_start3A_184 = arith.constant 0 : i32
      %dma_start3A_185 = tpu.memref_slice %arg7[%add3A_179, %dma_start3A_184] : memref<512x64xf32, #tpu.memory_space<vmem>> -> memref<1x64xf32, #tpu.memory_space<vmem>>
      %dma_start3A_186 = arith.constant 0 : i32
      %dma_start3A_187 = tpu.memref_slice %arg3[%reduce_sum3A_175, %dma_start3A_186] : memref<1000000x64xf32, #tpu.memory_space<hbm>> -> memref<1x64xf32, #tpu.memory_space<hbm>>
      tpu.enqueue_dma source(%dma_start3A_187 : memref<1x64xf32, #tpu.memory_space<hbm>>) target(%dma_start3A_185 : memref<1x64xf32, #tpu.memory_space<vmem>>) target_semaphore(%arg9 : memref<!tpu.dma_semaphore, #tpu.memory_space<semaphore_mem>>)
      %eq3A_188 = arith.constant 6 : i32
      %eq3A_189 = vector.broadcast %eq3A_188 : i32 to vector<16xi32>
      %eq3A_190 = arith.cmpi eq, %iota3A, %eq3A_189 : vector<16xi32>
      %jit3A_191 = arith.constant 0 : i32
      %broadcast_in_dim3A_192 = vector.broadcast %jit3A_191 : i32 to vector<16xi32>
      %select_n3A_193 = arith.select %eq3A_190, %get3A_60, %broadcast_in_dim3A_192 : vector<16xi1>, vector<16xi32>
      %reduce_sum3A_194 = arith.constant true
      %reduce_sum3A_195 = vector.broadcast %reduce_sum3A_194 : i1 to vector<16xi1>
      %reduce_sum3A_196 = tpu.scan <sum>, %select_n3A_193 masked %reduce_sum3A_195 : vector<16xi32>, vector<16xi1> -> vector<16xi32>
      %reduce_sum3A_197 = vector.extract %reduce_sum3A_196[15] : i32 from vector<16xi32>
      %mul3A_198 = arith.constant 16 : i32
      %mul3A_199 = arith.muli %scan3A_57, %mul3A_198 : i32
      %add3A_200 = arith.constant 6 : i32
      %add3A_201 = arith.addi %mul3A_199, %add3A_200 : i32
      %dma_start3A_202 = arith.constant 0 : i32
      %dma_start3A_203 = tpu.memref_slice %arg7[%add3A_201, %dma_start3A_202] : memref<512x64xf32, #tpu.memory_space<vmem>> -> memref<1x64xf32, #tpu.memory_space<vmem>>
      %dma_start3A_204 = arith.constant 0 : i32
      %dma_start3A_205 = tpu.memref_slice %arg3[%reduce_sum3A_197, %dma_start3A_204] : memref<1000000x64xf32, #tpu.memory_space<hbm>> -> memref<1x64xf32, #tpu.memory_space<hbm>>
      %dma_start3A_206 = arith.constant 0 : i32
      %dma_start3A_207 = tpu.memref_slice %arg7[%add3A_201, %dma_start3A_206] : memref<512x64xf32, #tpu.memory_space<vmem>> -> memref<1x64xf32, #tpu.memory_space<vmem>>
      %dma_start3A_208 = arith.constant 0 : i32
      %dma_start3A_209 = tpu.memref_slice %arg3[%reduce_sum3A_197, %dma_start3A_208] : memref<1000000x64xf32, #tpu.memory_space<hbm>> -> memref<1x64xf32, #tpu.memory_space<hbm>>
      tpu.enqueue_dma source(%dma_start3A_209 : memref<1x64xf32, #tpu.memory_space<hbm>>) target(%dma_start3A_207 : memref<1x64xf32, #tpu.memory_space<vmem>>) target_semaphore(%arg9 : memref<!tpu.dma_semaphore, #tpu.memory_space<semaphore_mem>>)
      %eq3A_210 = arith.constant 7 : i32
      %eq3A_211 = vector.broadcast %eq3A_210 : i32 to vector<16xi32>
      %eq3A_212 = arith.cmpi eq, %iota3A, %eq3A_211 : vector<16xi32>
      %jit3A_213 = arith.constant 0 : i32
      %broadcast_in_dim3A_214 = vector.broadcast %jit3A_213 : i32 to vector<16xi32>
      %select_n3A_215 = arith.select %eq3A_212, %get3A_60, %broadcast_in_dim3A_214 : vector<16xi1>, vector<16xi32>
      %reduce_sum3A_216 = arith.constant true
      %reduce_sum3A_217 = vector.broadcast %reduce_sum3A_216 : i1 to vector<16xi1>
      %reduce_sum3A_218 = tpu.scan <sum>, %select_n3A_215 masked %reduce_sum3A_217 : vector<16xi32>, vector<16xi1> -> vector<16xi32>
      %reduce_sum3A_219 = vector.extract %reduce_sum3A_218[15] : i32 from vector<16xi32>
      %mul3A_220 = arith.constant 16 : i32
      %mul3A_221 = arith.muli %scan3A_57, %mul3A_220 : i32
      %add3A_222 = arith.constant 7 : i32
      %add3A_223 = arith.addi %mul3A_221, %add3A_222 : i32
      %dma_start3A_224 = arith.constant 0 : i32
      %dma_start3A_225 = tpu.memref_slice %arg7[%add3A_223, %dma_start3A_224] : memref<512x64xf32, #tpu.memory_space<vmem>> -> memref<1x64xf32, #tpu.memory_space<vmem>>
      %dma_start3A_226 = arith.constant 0 : i32
      %dma_start3A_227 = tpu.memref_slice %arg3[%reduce_sum3A_219, %dma_start3A_226] : memref<1000000x64xf32, #tpu.memory_space<hbm>> -> memref<1x64xf32, #tpu.memory_space<hbm>>
      %dma_start3A_228 = arith.constant 0 : i32
      %dma_start3A_229 = tpu.memref_slice %arg7[%add3A_223, %dma_start3A_228] : memref<512x64xf32, #tpu.memory_space<vmem>> -> memref<1x64xf32, #tpu.memory_space<vmem>>
      %dma_start3A_230 = arith.constant 0 : i32
      %dma_start3A_231 = tpu.memref_slice %arg3[%reduce_sum3A_219, %dma_start3A_230] : memref<1000000x64xf32, #tpu.memory_space<hbm>> -> memref<1x64xf32, #tpu.memory_space<hbm>>
      tpu.enqueue_dma source(%dma_start3A_231 : memref<1x64xf32, #tpu.memory_space<hbm>>) target(%dma_start3A_229 : memref<1x64xf32, #tpu.memory_space<vmem>>) target_semaphore(%arg9 : memref<!tpu.dma_semaphore, #tpu.memory_space<semaphore_mem>>)
      %eq3A_232 = arith.constant 8 : i32
      %eq3A_233 = vector.broadcast %eq3A_232 : i32 to vector<16xi32>
      %eq3A_234 = arith.cmpi eq, %iota3A, %eq3A_233 : vector<16xi32>
      %jit3A_235 = arith.constant 0 : i32
      %broadcast_in_dim3A_236 = vector.broadcast %jit3A_235 : i32 to vector<16xi32>
      %select_n3A_237 = arith.select %eq3A_234, %get3A_60, %broadcast_in_dim3A_236 : vector<16xi1>, vector<16xi32>
      %reduce_sum3A_238 = arith.constant true
      %reduce_sum3A_239 = vector.broadcast %reduce_sum3A_238 : i1 to vector<16xi1>
      %reduce_sum3A_240 = tpu.scan <sum>, %select_n3A_237 masked %reduce_sum3A_239 : vector<16xi32>, vector<16xi1> -> vector<16xi32>
      %reduce_sum3A_241 = vector.extract %reduce_sum3A_240[15] : i32 from vector<16xi32>
      %mul3A_242 = arith.constant 16 : i32
      %mul3A_243 = arith.muli %scan3A_57, %mul3A_242 : i32
      %add3A_244 = arith.constant 8 : i32
      %add3A_245 = arith.addi %mul3A_243, %add3A_244 : i32
      %dma_start3A_246 = arith.constant 0 : i32
      %dma_start3A_247 = tpu.memref_slice %arg7[%add3A_245, %dma_start3A_246] : memref<512x64xf32, #tpu.memory_space<vmem>> -> memref<1x64xf32, #tpu.memory_space<vmem>>
      %dma_start3A_248 = arith.constant 0 : i32
      %dma_start3A_249 = tpu.memref_slice %arg3[%reduce_sum3A_241, %dma_start3A_248] : memref<1000000x64xf32, #tpu.memory_space<hbm>> -> memref<1x64xf32, #tpu.memory_space<hbm>>
      %dma_start3A_250 = arith.constant 0 : i32
      %dma_start3A_251 = tpu.memref_slice %arg7[%add3A_245, %dma_start3A_250] : memref<512x64xf32, #tpu.memory_space<vmem>> -> memref<1x64xf32, #tpu.memory_space<vmem>>
      %dma_start3A_252 = arith.constant 0 : i32
      %dma_start3A_253 = tpu.memref_slice %arg3[%reduce_sum3A_241, %dma_start3A_252] : memref<1000000x64xf32, #tpu.memory_space<hbm>> -> memref<1x64xf32, #tpu.memory_space<hbm>>
      tpu.enqueue_dma source(%dma_start3A_253 : memref<1x64xf32, #tpu.memory_space<hbm>>) target(%dma_start3A_251 : memref<1x64xf32, #tpu.memory_space<vmem>>) target_semaphore(%arg9 : memref<!tpu.dma_semaphore, #tpu.memory_space<semaphore_mem>>)
      %eq3A_254 = arith.constant 9 : i32
      %eq3A_255 = vector.broadcast %eq3A_254 : i32 to vector<16xi32>
      %eq3A_256 = arith.cmpi eq, %iota3A, %eq3A_255 : vector<16xi32>
      %jit3A_257 = arith.constant 0 : i32
      %broadcast_in_dim3A_258 = vector.broadcast %jit3A_257 : i32 to vector<16xi32>
      %select_n3A_259 = arith.select %eq3A_256, %get3A_60, %broadcast_in_dim3A_258 : vector<16xi1>, vector<16xi32>
      %reduce_sum3A_260 = arith.constant true
      %reduce_sum3A_261 = vector.broadcast %reduce_sum3A_260 : i1 to vector<16xi1>
      %reduce_sum3A_262 = tpu.scan <sum>, %select_n3A_259 masked %reduce_sum3A_261 : vector<16xi32>, vector<16xi1> -> vector<16xi32>
      %reduce_sum3A_263 = vector.extract %reduce_sum3A_262[15] : i32 from vector<16xi32>
      %mul3A_264 = arith.constant 16 : i32
      %mul3A_265 = arith.muli %scan3A_57, %mul3A_264 : i32
      %add3A_266 = arith.constant 9 : i32
      %add3A_267 = arith.addi %mul3A_265, %add3A_266 : i32
      %dma_start3A_268 = arith.constant 0 : i32
      %dma_start3A_269 = tpu.memref_slice %arg7[%add3A_267, %dma_start3A_268] : memref<512x64xf32, #tpu.memory_space<vmem>> -> memref<1x64xf32, #tpu.memory_space<vmem>>
      %dma_start3A_270 = arith.constant 0 : i32
      %dma_start3A_271 = tpu.memref_slice %arg3[%reduce_sum3A_263, %dma_start3A_270] : memref<1000000x64xf32, #tpu.memory_space<hbm>> -> memref<1x64xf32, #tpu.memory_space<hbm>>
      %dma_start3A_272 = arith.constant 0 : i32
      %dma_start3A_273 = tpu.memref_slice %arg7[%add3A_267, %dma_start3A_272] : memref<512x64xf32, #tpu.memory_space<vmem>> -> memref<1x64xf32, #tpu.memory_space<vmem>>
      %dma_start3A_274 = arith.constant 0 : i32
      %dma_start3A_275 = tpu.memref_slice %arg3[%reduce_sum3A_263, %dma_start3A_274] : memref<1000000x64xf32, #tpu.memory_space<hbm>> -> memref<1x64xf32, #tpu.memory_space<hbm>>
      tpu.enqueue_dma source(%dma_start3A_275 : memref<1x64xf32, #tpu.memory_space<hbm>>) target(%dma_start3A_273 : memref<1x64xf32, #tpu.memory_space<vmem>>) target_semaphore(%arg9 : memref<!tpu.dma_semaphore, #tpu.memory_space<semaphore_mem>>)
      %eq3A_276 = arith.constant 10 : i32
      %eq3A_277 = vector.broadcast %eq3A_276 : i32 to vector<16xi32>
      %eq3A_278 = arith.cmpi eq, %iota3A, %eq3A_277 : vector<16xi32>
      %jit3A_279 = arith.constant 0 : i32
      %broadcast_in_dim3A_280 = vector.broadcast %jit3A_279 : i32 to vector<16xi32>
      %select_n3A_281 = arith.select %eq3A_278, %get3A_60, %broadcast_in_dim3A_280 : vector<16xi1>, vector<16xi32>
      %reduce_sum3A_282 = arith.constant true
      %reduce_sum3A_283 = vector.broadcast %reduce_sum3A_282 : i1 to vector<16xi1>
      %reduce_sum3A_284 = tpu.scan <sum>, %select_n3A_281 masked %reduce_sum3A_283 : vector<16xi32>, vector<16xi1> -> vector<16xi32>
      %reduce_sum3A_285 = vector.extract %reduce_sum3A_284[15] : i32 from vector<16xi32>
      %mul3A_286 = arith.constant 16 : i32
      %mul3A_287 = arith.muli %scan3A_57, %mul3A_286 : i32
      %add3A_288 = arith.constant 10 : i32
      %add3A_289 = arith.addi %mul3A_287, %add3A_288 : i32
      %dma_start3A_290 = arith.constant 0 : i32
      %dma_start3A_291 = tpu.memref_slice %arg7[%add3A_289, %dma_start3A_290] : memref<512x64xf32, #tpu.memory_space<vmem>> -> memref<1x64xf32, #tpu.memory_space<vmem>>
      %dma_start3A_292 = arith.constant 0 : i32
      %dma_start3A_293 = tpu.memref_slice %arg3[%reduce_sum3A_285, %dma_start3A_292] : memref<1000000x64xf32, #tpu.memory_space<hbm>> -> memref<1x64xf32, #tpu.memory_space<hbm>>
      %dma_start3A_294 = arith.constant 0 : i32
      %dma_start3A_295 = tpu.memref_slice %arg7[%add3A_289, %dma_start3A_294] : memref<512x64xf32, #tpu.memory_space<vmem>> -> memref<1x64xf32, #tpu.memory_space<vmem>>
      %dma_start3A_296 = arith.constant 0 : i32
      %dma_start3A_297 = tpu.memref_slice %arg3[%reduce_sum3A_285, %dma_start3A_296] : memref<1000000x64xf32, #tpu.memory_space<hbm>> -> memref<1x64xf32, #tpu.memory_space<hbm>>
      tpu.enqueue_dma source(%dma_start3A_297 : memref<1x64xf32, #tpu.memory_space<hbm>>) target(%dma_start3A_295 : memref<1x64xf32, #tpu.memory_space<vmem>>) target_semaphore(%arg9 : memref<!tpu.dma_semaphore, #tpu.memory_space<semaphore_mem>>)
      %eq3A_298 = arith.constant 11 : i32
      %eq3A_299 = vector.broadcast %eq3A_298 : i32 to vector<16xi32>
      %eq3A_300 = arith.cmpi eq, %iota3A, %eq3A_299 : vector<16xi32>
      %jit3A_301 = arith.constant 0 : i32
      %broadcast_in_dim3A_302 = vector.broadcast %jit3A_301 : i32 to vector<16xi32>
      %select_n3A_303 = arith.select %eq3A_300, %get3A_60, %broadcast_in_dim3A_302 : vector<16xi1>, vector<16xi32>
      %reduce_sum3A_304 = arith.constant true
      %reduce_sum3A_305 = vector.broadcast %reduce_sum3A_304 : i1 to vector<16xi1>
      %reduce_sum3A_306 = tpu.scan <sum>, %select_n3A_303 masked %reduce_sum3A_305 : vector<16xi32>, vector<16xi1> -> vector<16xi32>
      %reduce_sum3A_307 = vector.extract %reduce_sum3A_306[15] : i32 from vector<16xi32>
      %mul3A_308 = arith.constant 16 : i32
      %mul3A_309 = arith.muli %scan3A_57, %mul3A_308 : i32
      %add3A_310 = arith.constant 11 : i32
      %add3A_311 = arith.addi %mul3A_309, %add3A_310 : i32
      %dma_start3A_312 = arith.constant 0 : i32
      %dma_start3A_313 = tpu.memref_slice %arg7[%add3A_311, %dma_start3A_312] : memref<512x64xf32, #tpu.memory_space<vmem>> -> memref<1x64xf32, #tpu.memory_space<vmem>>
      %dma_start3A_314 = arith.constant 0 : i32
      %dma_start3A_315 = tpu.memref_slice %arg3[%reduce_sum3A_307, %dma_start3A_314] : memref<1000000x64xf32, #tpu.memory_space<hbm>> -> memref<1x64xf32, #tpu.memory_space<hbm>>
      %dma_start3A_316 = arith.constant 0 : i32
      %dma_start3A_317 = tpu.memref_slice %arg7[%add3A_311, %dma_start3A_316] : memref<512x64xf32, #tpu.memory_space<vmem>> -> memref<1x64xf32, #tpu.memory_space<vmem>>
      %dma_start3A_318 = arith.constant 0 : i32
      %dma_start3A_319 = tpu.memref_slice %arg3[%reduce_sum3A_307, %dma_start3A_318] : memref<1000000x64xf32, #tpu.memory_space<hbm>> -> memref<1x64xf32, #tpu.memory_space<hbm>>
      tpu.enqueue_dma source(%dma_start3A_319 : memref<1x64xf32, #tpu.memory_space<hbm>>) target(%dma_start3A_317 : memref<1x64xf32, #tpu.memory_space<vmem>>) target_semaphore(%arg9 : memref<!tpu.dma_semaphore, #tpu.memory_space<semaphore_mem>>)
      %eq3A_320 = arith.constant 12 : i32
      %eq3A_321 = vector.broadcast %eq3A_320 : i32 to vector<16xi32>
      %eq3A_322 = arith.cmpi eq, %iota3A, %eq3A_321 : vector<16xi32>
      %jit3A_323 = arith.constant 0 : i32
      %broadcast_in_dim3A_324 = vector.broadcast %jit3A_323 : i32 to vector<16xi32>
      %select_n3A_325 = arith.select %eq3A_322, %get3A_60, %broadcast_in_dim3A_324 : vector<16xi1>, vector<16xi32>
      %reduce_sum3A_326 = arith.constant true
      %reduce_sum3A_327 = vector.broadcast %reduce_sum3A_326 : i1 to vector<16xi1>
      %reduce_sum3A_328 = tpu.scan <sum>, %select_n3A_325 masked %reduce_sum3A_327 : vector<16xi32>, vector<16xi1> -> vector<16xi32>
      %reduce_sum3A_329 = vector.extract %reduce_sum3A_328[15] : i32 from vector<16xi32>
      %mul3A_330 = arith.constant 16 : i32
      %mul3A_331 = arith.muli %scan3A_57, %mul3A_330 : i32
      %add3A_332 = arith.constant 12 : i32
      %add3A_333 = arith.addi %mul3A_331, %add3A_332 : i32
      %dma_start3A_334 = arith.constant 0 : i32
      %dma_start3A_335 = tpu.memref_slice %arg7[%add3A_333, %dma_start3A_334] : memref<512x64xf32, #tpu.memory_space<vmem>> -> memref<1x64xf32, #tpu.memory_space<vmem>>
      %dma_start3A_336 = arith.constant 0 : i32
      %dma_start3A_337 = tpu.memref_slice %arg3[%reduce_sum3A_329, %dma_start3A_336] : memref<1000000x64xf32, #tpu.memory_space<hbm>> -> memref<1x64xf32, #tpu.memory_space<hbm>>
      %dma_start3A_338 = arith.constant 0 : i32
      %dma_start3A_339 = tpu.memref_slice %arg7[%add3A_333, %dma_start3A_338] : memref<512x64xf32, #tpu.memory_space<vmem>> -> memref<1x64xf32, #tpu.memory_space<vmem>>
      %dma_start3A_340 = arith.constant 0 : i32
      %dma_start3A_341 = tpu.memref_slice %arg3[%reduce_sum3A_329, %dma_start3A_340] : memref<1000000x64xf32, #tpu.memory_space<hbm>> -> memref<1x64xf32, #tpu.memory_space<hbm>>
      tpu.enqueue_dma source(%dma_start3A_341 : memref<1x64xf32, #tpu.memory_space<hbm>>) target(%dma_start3A_339 : memref<1x64xf32, #tpu.memory_space<vmem>>) target_semaphore(%arg9 : memref<!tpu.dma_semaphore, #tpu.memory_space<semaphore_mem>>)
      %eq3A_342 = arith.constant 13 : i32
      %eq3A_343 = vector.broadcast %eq3A_342 : i32 to vector<16xi32>
      %eq3A_344 = arith.cmpi eq, %iota3A, %eq3A_343 : vector<16xi32>
      %jit3A_345 = arith.constant 0 : i32
      %broadcast_in_dim3A_346 = vector.broadcast %jit3A_345 : i32 to vector<16xi32>
      %select_n3A_347 = arith.select %eq3A_344, %get3A_60, %broadcast_in_dim3A_346 : vector<16xi1>, vector<16xi32>
      %reduce_sum3A_348 = arith.constant true
      %reduce_sum3A_349 = vector.broadcast %reduce_sum3A_348 : i1 to vector<16xi1>
      %reduce_sum3A_350 = tpu.scan <sum>, %select_n3A_347 masked %reduce_sum3A_349 : vector<16xi32>, vector<16xi1> -> vector<16xi32>
      %reduce_sum3A_351 = vector.extract %reduce_sum3A_350[15] : i32 from vector<16xi32>
      %mul3A_352 = arith.constant 16 : i32
      %mul3A_353 = arith.muli %scan3A_57, %mul3A_352 : i32
      %add3A_354 = arith.constant 13 : i32
      %add3A_355 = arith.addi %mul3A_353, %add3A_354 : i32
      %dma_start3A_356 = arith.constant 0 : i32
      %dma_start3A_357 = tpu.memref_slice %arg7[%add3A_355, %dma_start3A_356] : memref<512x64xf32, #tpu.memory_space<vmem>> -> memref<1x64xf32, #tpu.memory_space<vmem>>
      %dma_start3A_358 = arith.constant 0 : i32
      %dma_start3A_359 = tpu.memref_slice %arg3[%reduce_sum3A_351, %dma_start3A_358] : memref<1000000x64xf32, #tpu.memory_space<hbm>> -> memref<1x64xf32, #tpu.memory_space<hbm>>
      %dma_start3A_360 = arith.constant 0 : i32
      %dma_start3A_361 = tpu.memref_slice %arg7[%add3A_355, %dma_start3A_360] : memref<512x64xf32, #tpu.memory_space<vmem>> -> memref<1x64xf32, #tpu.memory_space<vmem>>
      %dma_start3A_362 = arith.constant 0 : i32
      %dma_start3A_363 = tpu.memref_slice %arg3[%reduce_sum3A_351, %dma_start3A_362] : memref<1000000x64xf32, #tpu.memory_space<hbm>> -> memref<1x64xf32, #tpu.memory_space<hbm>>
      tpu.enqueue_dma source(%dma_start3A_363 : memref<1x64xf32, #tpu.memory_space<hbm>>) target(%dma_start3A_361 : memref<1x64xf32, #tpu.memory_space<vmem>>) target_semaphore(%arg9 : memref<!tpu.dma_semaphore, #tpu.memory_space<semaphore_mem>>)
      %eq3A_364 = arith.constant 14 : i32
      %eq3A_365 = vector.broadcast %eq3A_364 : i32 to vector<16xi32>
      %eq3A_366 = arith.cmpi eq, %iota3A, %eq3A_365 : vector<16xi32>
      %jit3A_367 = arith.constant 0 : i32
      %broadcast_in_dim3A_368 = vector.broadcast %jit3A_367 : i32 to vector<16xi32>
      %select_n3A_369 = arith.select %eq3A_366, %get3A_60, %broadcast_in_dim3A_368 : vector<16xi1>, vector<16xi32>
      %reduce_sum3A_370 = arith.constant true
      %reduce_sum3A_371 = vector.broadcast %reduce_sum3A_370 : i1 to vector<16xi1>
      %reduce_sum3A_372 = tpu.scan <sum>, %select_n3A_369 masked %reduce_sum3A_371 : vector<16xi32>, vector<16xi1> -> vector<16xi32>
      %reduce_sum3A_373 = vector.extract %reduce_sum3A_372[15] : i32 from vector<16xi32>
      %mul3A_374 = arith.constant 16 : i32
      %mul3A_375 = arith.muli %scan3A_57, %mul3A_374 : i32
      %add3A_376 = arith.constant 14 : i32
      %add3A_377 = arith.addi %mul3A_375, %add3A_376 : i32
      %dma_start3A_378 = arith.constant 0 : i32
      %dma_start3A_379 = tpu.memref_slice %arg7[%add3A_377, %dma_start3A_378] : memref<512x64xf32, #tpu.memory_space<vmem>> -> memref<1x64xf32, #tpu.memory_space<vmem>>
      %dma_start3A_380 = arith.constant 0 : i32
      %dma_start3A_381 = tpu.memref_slice %arg3[%reduce_sum3A_373, %dma_start3A_380] : memref<1000000x64xf32, #tpu.memory_space<hbm>> -> memref<1x64xf32, #tpu.memory_space<hbm>>
      %dma_start3A_382 = arith.constant 0 : i32
      %dma_start3A_383 = tpu.memref_slice %arg7[%add3A_377, %dma_start3A_382] : memref<512x64xf32, #tpu.memory_space<vmem>> -> memref<1x64xf32, #tpu.memory_space<vmem>>
      %dma_start3A_384 = arith.constant 0 : i32
      %dma_start3A_385 = tpu.memref_slice %arg3[%reduce_sum3A_373, %dma_start3A_384] : memref<1000000x64xf32, #tpu.memory_space<hbm>> -> memref<1x64xf32, #tpu.memory_space<hbm>>
      tpu.enqueue_dma source(%dma_start3A_385 : memref<1x64xf32, #tpu.memory_space<hbm>>) target(%dma_start3A_383 : memref<1x64xf32, #tpu.memory_space<vmem>>) target_semaphore(%arg9 : memref<!tpu.dma_semaphore, #tpu.memory_space<semaphore_mem>>)
      %eq3A_386 = arith.constant 15 : i32
      %eq3A_387 = vector.broadcast %eq3A_386 : i32 to vector<16xi32>
      %eq3A_388 = arith.cmpi eq, %iota3A, %eq3A_387 : vector<16xi32>
      %jit3A_389 = arith.constant 0 : i32
      %broadcast_in_dim3A_390 = vector.broadcast %jit3A_389 : i32 to vector<16xi32>
      %select_n3A_391 = arith.select %eq3A_388, %get3A_60, %broadcast_in_dim3A_390 : vector<16xi1>, vector<16xi32>
      %reduce_sum3A_392 = arith.constant true
      %reduce_sum3A_393 = vector.broadcast %reduce_sum3A_392 : i1 to vector<16xi1>
      %reduce_sum3A_394 = tpu.scan <sum>, %select_n3A_391 masked %reduce_sum3A_393 : vector<16xi32>, vector<16xi1> -> vector<16xi32>
      %reduce_sum3A_395 = vector.extract %reduce_sum3A_394[15] : i32 from vector<16xi32>
      %mul3A_396 = arith.constant 16 : i32
      %mul3A_397 = arith.muli %scan3A_57, %mul3A_396 : i32
      %add3A_398 = arith.constant 15 : i32
      %add3A_399 = arith.addi %mul3A_397, %add3A_398 : i32
      %dma_start3A_400 = arith.constant 0 : i32
      %dma_start3A_401 = tpu.memref_slice %arg7[%add3A_399, %dma_start3A_400] : memref<512x64xf32, #tpu.memory_space<vmem>> -> memref<1x64xf32, #tpu.memory_space<vmem>>
      %dma_start3A_402 = arith.constant 0 : i32
      %dma_start3A_403 = tpu.memref_slice %arg3[%reduce_sum3A_395, %dma_start3A_402] : memref<1000000x64xf32, #tpu.memory_space<hbm>> -> memref<1x64xf32, #tpu.memory_space<hbm>>
      %dma_start3A_404 = arith.constant 0 : i32
      %dma_start3A_405 = tpu.memref_slice %arg7[%add3A_399, %dma_start3A_404] : memref<512x64xf32, #tpu.memory_space<vmem>> -> memref<1x64xf32, #tpu.memory_space<vmem>>
      %dma_start3A_406 = arith.constant 0 : i32
      %dma_start3A_407 = tpu.memref_slice %arg3[%reduce_sum3A_395, %dma_start3A_406] : memref<1000000x64xf32, #tpu.memory_space<hbm>> -> memref<1x64xf32, #tpu.memory_space<hbm>>
      tpu.enqueue_dma source(%dma_start3A_407 : memref<1x64xf32, #tpu.memory_space<hbm>>) target(%dma_start3A_405 : memref<1x64xf32, #tpu.memory_space<vmem>>) target_semaphore(%arg9 : memref<!tpu.dma_semaphore, #tpu.memory_space<semaphore_mem>>)
    }
    %scan3A_11 = arith.constant 32 : i32
    %dma_wait3A = arith.constant 0 : i32
    %dma_wait3A_12 = arith.constant 0 : i32
    %dma_wait3A_13 = tpu.memref_slice %arg3[%dma_wait3A, %dma_wait3A_12] : memref<1000000x64xf32, #tpu.memory_space<hbm>> -> memref<512x64xf32, #tpu.memory_space<hbm>>
    %dma_wait3A_14 = arith.constant 0 : i32
    %dma_wait3A_15 = arith.constant 0 : i32
    %dma_wait3A_16 = tpu.memref_slice %arg3[%dma_wait3A_14, %dma_wait3A_15] : memref<1000000x64xf32, #tpu.memory_space<hbm>> -> memref<512x64xf32, #tpu.memory_space<hbm>>
    tpu.wait_dma2 semaphore(%arg9 : memref<!tpu.dma_semaphore, #tpu.memory_space<semaphore_mem>>) src(%dma_wait3A_16 : memref<512x64xf32, #tpu.memory_space<hbm>>) dst(%arg7 : memref<512x64xf32, #tpu.memory_space<vmem>>)
    %dma_wait3A_17 = arith.constant 0 : i32
    %dma_wait3A_18 = tpu.memref_slice %arg4[%rem3A_3, %dma_wait3A_17] : memref<5000x64xf32, #tpu.memory_space<hbm>> -> memref<256x64xf32, #tpu.memory_space<hbm>>
    %dma_wait3A_19 = arith.constant 0 : i32
    %dma_wait3A_20 = tpu.memref_slice %arg4[%rem3A_3, %dma_wait3A_19] : memref<5000x64xf32, #tpu.memory_space<hbm>> -> memref<256x64xf32, #tpu.memory_space<hbm>>
    tpu.wait_dma2 semaphore(%arg10 : memref<!tpu.dma_semaphore, #tpu.memory_space<semaphore_mem>>) src(%dma_wait3A_20 : memref<256x64xf32, #tpu.memory_space<hbm>>) dst(%arg8 : memref<256x64xf32, #tpu.memory_space<vmem>>)
    %scan3A_21 = arith.constant 0 : i32
    %scan3A_22 = arith.constant 0 : i32
    %scan3A_23 = arith.constant 256 : i32
    %scan3A_24 = arith.addi %scan3A_22, %scan3A_23 : i32
    %scan3A_25 = arith.constant 1 : i32
    scf.for %scan3A_57 = %scan3A_22 to %scan3A_24 step %scan3A_25  : i32 {
      %get3A = arith.index_cast %scan3A_57 : i32 to index
      %get3A_58 = arith.constant 0 : index
      %get3A_59 = tpu.vector_load %arg7[%get3A, %get3A_58] {strides = array<i32>} : memref<512x64xf32, #tpu.memory_space<vmem>>, vector<16xf32>,
      %get3A_60 = arith.index_cast %scan3A_57 : i32 to index
      %get3A_61 = arith.constant 0 : index
      %get3A_62 = tpu.vector_load %arg8[%get3A_60, %get3A_61] {strides = array<i32>} : memref<256x64xf32, #tpu.memory_space<vmem>>, vector<16xf32>,
      %add3A_63 = arith.addf %get3A_59, %get3A_62 : vector<16xf32>
      %mul3A_64 = arith.constant 8.000000e+00 : f32
      %mul3A_65 = vector.broadcast %mul3A_64 : f32 to vector<16xf32>
      %mul3A_66 = arith.mulf %add3A_63, %mul3A_65 : vector<16xf32>
      %swap3A = arith.index_cast %scan3A_57 : i32 to index
      %swap3A_67 = arith.constant 0 : index
      %swap3A_68 = tpu.vector_load %arg7[%swap3A, %swap3A_67] {strides = array<i32>} : memref<512x64xf32, #tpu.memory_space<vmem>>, vector<16xf32>,
      tpu.vector_store %arg7[%swap3A, %swap3A_67], %mul3A_66 {strides = array<i32>} : memref<512x64xf32, #tpu.memory_space<vmem>>, vector<16xf32>,
      %get3A_69 = arith.index_cast %scan3A_57 : i32 to index
      %get3A_70 = arith.constant 16 : index
      %get3A_71 = tpu.vector_load %arg7[%get3A_69, %get3A_70] {strides = array<i32>} : memref<512x64xf32, #tpu.memory_space<vmem>>, vector<16xf32>,
      %get3A_72 = arith.index_cast %scan3A_57 : i32 to index
      %get3A_73 = arith.constant 16 : index
      %get3A_74 = tpu.vector_load %arg8[%get3A_72, %get3A_73] {strides = array<i32>} : memref<256x64xf32, #tpu.memory_space<vmem>>, vector<16xf32>,
      %add3A_75 = arith.addf %get3A_71, %get3A_74 : vector<16xf32>
      %mul3A_76 = arith.constant 8.000000e+00 : f32
      %mul3A_77 = vector.broadcast %mul3A_76 : f32 to vector<16xf32>
      %mul3A_78 = arith.mulf %add3A_75, %mul3A_77 : vector<16xf32>
      %swap3A_79 = arith.index_cast %scan3A_57 : i32 to index
      %swap3A_80 = arith.constant 16 : index
      %swap3A_81 = tpu.vector_load %arg7[%swap3A_79, %swap3A_80] {strides = array<i32>} : memref<512x64xf32, #tpu.memory_space<vmem>>, vector<16xf32>,
      tpu.vector_store %arg7[%swap3A_79, %swap3A_80], %mul3A_78 {strides = array<i32>} : memref<512x64xf32, #tpu.memory_space<vmem>>, vector<16xf32>,
      %get3A_82 = arith.index_cast %scan3A_57 : i32 to index
      %get3A_83 = arith.constant 32 : index
      %get3A_84 = tpu.vector_load %arg7[%get3A_82, %get3A_83] {strides = array<i32>} : memref<512x64xf32, #tpu.memory_space<vmem>>, vector<16xf32>,
      %get3A_85 = arith.index_cast %scan3A_57 : i32 to index
      %get3A_86 = arith.constant 32 : index
      %get3A_87 = tpu.vector_load %arg8[%get3A_85, %get3A_86] {strides = array<i32>} : memref<256x64xf32, #tpu.memory_space<vmem>>, vector<16xf32>,
      %add3A_88 = arith.addf %get3A_84, %get3A_87 : vector<16xf32>
      %mul3A_89 = arith.constant 8.000000e+00 : f32
      %mul3A_90 = vector.broadcast %mul3A_89 : f32 to vector<16xf32>
      %mul3A_91 = arith.mulf %add3A_88, %mul3A_90 : vector<16xf32>
      %swap3A_92 = arith.index_cast %scan3A_57 : i32 to index
      %swap3A_93 = arith.constant 32 : index
      %swap3A_94 = tpu.vector_load %arg7[%swap3A_92, %swap3A_93] {strides = array<i32>} : memref<512x64xf32, #tpu.memory_space<vmem>>, vector<16xf32>,
      tpu.vector_store %arg7[%swap3A_92, %swap3A_93], %mul3A_91 {strides = array<i32>} : memref<512x64xf32, #tpu.memory_space<vmem>>, vector<16xf32>,
      %get3A_95 = arith.index_cast %scan3A_57 : i32 to index
      %get3A_96 = arith.constant 48 : index
      %get3A_97 = tpu.vector_load %arg7[%get3A_95, %get3A_96] {strides = array<i32>} : memref<512x64xf32, #tpu.memory_space<vmem>>, vector<16xf32>,
      %get3A_98 = arith.index_cast %scan3A_57 : i32 to index
      %get3A_99 = arith.constant 48 : index
      %get3A_100 = tpu.vector_load %arg8[%get3A_98, %get3A_99] {strides = array<i32>} : memref<256x64xf32, #tpu.memory_space<vmem>>, vector<16xf32>,
      %add3A_101 = arith.addf %get3A_97, %get3A_100 : vector<16xf32>
      %mul3A_102 = arith.constant 8.000000e+00 : f32
      %mul3A_103 = vector.broadcast %mul3A_102 : f32 to vector<16xf32>
      %mul3A_104 = arith.mulf %add3A_101, %mul3A_103 : vector<16xf32>
      %swap3A_105 = arith.index_cast %scan3A_57 : i32 to index
      %swap3A_106 = arith.constant 48 : index
      %swap3A_107 = tpu.vector_load %arg7[%swap3A_105, %swap3A_106] {strides = array<i32>} : memref<512x64xf32, #tpu.memory_space<vmem>>, vector<16xf32>,
      tpu.vector_store %arg7[%swap3A_105, %swap3A_106], %mul3A_104 {strides = array<i32>} : memref<512x64xf32, #tpu.memory_space<vmem>>, vector<16xf32>,
    }
    %scan3A_26 = arith.constant 256 : i32
    %dma_start3A_27 = arith.constant 0 : i32
    %dma_start3A_28 = arith.constant 0 : i32
    %dma_start3A_29 = tpu.memref_slice %arg7[%dma_start3A_27, %dma_start3A_28] : memref<512x64xf32, #tpu.memory_space<vmem>> -> memref<256x64xf32, #tpu.memory_space<vmem>>
    %dma_start3A_30 = arith.constant 0 : i32
    %dma_start3A_31 = tpu.memref_slice %arg5[%mul3A_2, %dma_start3A_30] : memref<16384x64xf32, #tpu.memory_space<hbm>> -> memref<256x64xf32, #tpu.memory_space<hbm>>
    %dma_start3A_32 = arith.constant 0 : i32
    %dma_start3A_33 = tpu.memref_slice %arg5[%mul3A_2, %dma_start3A_32] : memref<16384x64xf32, #tpu.memory_space<hbm>> -> memref<256x64xf32, #tpu.memory_space<hbm>>
    %dma_start3A_34 = arith.constant 0 : i32
    %dma_start3A_35 = arith.constant 0 : i32
    %dma_start3A_36 = tpu.memref_slice %arg7[%dma_start3A_34, %dma_start3A_35] : memref<512x64xf32, #tpu.memory_space<vmem>> -> memref<256x64xf32, #tpu.memory_space<vmem>>
    tpu.enqueue_dma source(%dma_start3A_36 : memref<256x64xf32, #tpu.memory_space<vmem>>) target(%dma_start3A_33 : memref<256x64xf32, #tpu.memory_space<hbm>>) target_semaphore(%arg9 : memref<!tpu.dma_semaphore, #tpu.memory_space<semaphore_mem>>)
    %add3A_37 = arith.constant 256 : i32
    %add3A_38 = arith.addi %rem3A_3, %add3A_37 : i32
    "tpu.region"() ({
      %run_scoped3A = tpu.sem_alloc : memref<!tpu.dma_semaphore, #tpu.memory_space<semaphore_mem>>
      %dma_start3A_57 = arith.constant 0 : i32
      %dma_start3A_58 = tpu.memref_slice %arg4[%add3A_38, %dma_start3A_57] : memref<5000x64xf32, #tpu.memory_space<hbm>> -> memref<256x64xf32, #tpu.memory_space<hbm>>
      %dma_start3A_59 = arith.constant 0 : i32
      %dma_start3A_60 = tpu.memref_slice %arg4[%add3A_38, %dma_start3A_59] : memref<5000x64xf32, #tpu.memory_space<hbm>> -> memref<256x64xf32, #tpu.memory_space<hbm>>
      tpu.enqueue_dma source(%dma_start3A_60 : memref<256x64xf32, #tpu.memory_space<hbm>>) target(%arg8 : memref<256x64xf32, #tpu.memory_space<vmem>>) target_semaphore(%run_scoped3A : memref<!tpu.dma_semaphore, #tpu.memory_space<semaphore_mem>>)
      %dma_wait3A_61 = arith.constant 0 : i32
      %dma_wait3A_62 = tpu.memref_slice %arg4[%add3A_38, %dma_wait3A_61] : memref<5000x64xf32, #tpu.memory_space<hbm>> -> memref<256x64xf32, #tpu.memory_space<hbm>>
      %dma_wait3A_63 = arith.constant 0 : i32
      %dma_wait3A_64 = tpu.memref_slice %arg4[%add3A_38, %dma_wait3A_63] : memref<5000x64xf32, #tpu.memory_space<hbm>> -> memref<256x64xf32, #tpu.memory_space<hbm>>
      tpu.wait_dma2 semaphore(%run_scoped3A : memref<!tpu.dma_semaphore, #tpu.memory_space<semaphore_mem>>) src(%dma_wait3A_64 : memref<256x64xf32, #tpu.memory_space<hbm>>) dst(%arg8 : memref<256x64xf32, #tpu.memory_space<vmem>>)
      tpu.yield
    }) : () -> ()
    %scan3A_39 = arith.constant 0 : i32
    %scan3A_40 = arith.constant 0 : i32
    %scan3A_41 = arith.constant 256 : i32
    %scan3A_42 = arith.addi %scan3A_40, %scan3A_41 : i32
    %scan3A_43 = arith.constant 1 : i32
    scf.for %scan3A_57 = %scan3A_40 to %scan3A_42 step %scan3A_43  : i32 {
      %add3A_58 = arith.constant 256 : i32
      %add3A_59 = arith.addi %add3A_58, %scan3A_57 : i32
      %get3A = arith.index_cast %add3A_59 : i32 to index
      %get3A_60 = arith.constant 0 : index
      %get3A_61 = tpu.vector_load %arg7[%get3A, %get3A_60] {strides = array<i32>} : memref<512x64xf32, #tpu.memory_space<vmem>>, vector<16xf32>,
      %get3A_62 = arith.index_cast %scan3A_57 : i32 to index
      %get3A_63 = arith.constant 0 : index
      %get3A_64 = tpu.vector_load %arg8[%get3A_62, %get3A_63] {strides = array<i32>} : memref<256x64xf32, #tpu.memory_space<vmem>>, vector<16xf32>,
      %add3A_65 = arith.addf %get3A_61, %get3A_64 : vector<16xf32>
      %mul3A_66 = arith.constant 8.000000e+00 : f32
      %mul3A_67 = vector.broadcast %mul3A_66 : f32 to vector<16xf32>
      %mul3A_68 = arith.mulf %add3A_65, %mul3A_67 : vector<16xf32>
      %add3A_69 = arith.constant 256 : i32
      %add3A_70 = arith.addi %add3A_69, %scan3A_57 : i32
      %swap3A = arith.index_cast %add3A_70 : i32 to index
      %swap3A_71 = arith.constant 0 : index
      %swap3A_72 = tpu.vector_load %arg7[%swap3A, %swap3A_71] {strides = array<i32>} : memref<512x64xf32, #tpu.memory_space<vmem>>, vector<16xf32>,
      tpu.vector_store %arg7[%swap3A, %swap3A_71], %mul3A_68 {strides = array<i32>} : memref<512x64xf32, #tpu.memory_space<vmem>>, vector<16xf32>,
      %add3A_73 = arith.constant 256 : i32
      %add3A_74 = arith.addi %add3A_73, %scan3A_57 : i32
      %get3A_75 = arith.index_cast %add3A_74 : i32 to index
      %get3A_76 = arith.constant 16 : index
      %get3A_77 = tpu.vector_load %arg7[%get3A_75, %get3A_76] {strides = array<i32>} : memref<512x64xf32, #tpu.memory_space<vmem>>, vector<16xf32>,
      %get3A_78 = arith.index_cast %scan3A_57 : i32 to index
      %get3A_79 = arith.constant 16 : index
      %get3A_80 = tpu.vector_load %arg8[%get3A_78, %get3A_79] {strides = array<i32>} : memref<256x64xf32, #tpu.memory_space<vmem>>, vector<16xf32>,
      %add3A_81 = arith.addf %get3A_77, %get3A_80 : vector<16xf32>
      %mul3A_82 = arith.constant 8.000000e+00 : f32
      %mul3A_83 = vector.broadcast %mul3A_82 : f32 to vector<16xf32>
      %mul3A_84 = arith.mulf %add3A_81, %mul3A_83 : vector<16xf32>
      %add3A_85 = arith.constant 256 : i32
      %add3A_86 = arith.addi %add3A_85, %scan3A_57 : i32
      %swap3A_87 = arith.index_cast %add3A_86 : i32 to index
      %swap3A_88 = arith.constant 16 : index
      %swap3A_89 = tpu.vector_load %arg7[%swap3A_87, %swap3A_88] {strides = array<i32>} : memref<512x64xf32, #tpu.memory_space<vmem>>, vector<16xf32>,
      tpu.vector_store %arg7[%swap3A_87, %swap3A_88], %mul3A_84 {strides = array<i32>} : memref<512x64xf32, #tpu.memory_space<vmem>>, vector<16xf32>,
      %add3A_90 = arith.constant 256 : i32
      %add3A_91 = arith.addi %add3A_90, %scan3A_57 : i32
      %get3A_92 = arith.index_cast %add3A_91 : i32 to index
      %get3A_93 = arith.constant 32 : index
      %get3A_94 = tpu.vector_load %arg7[%get3A_92, %get3A_93] {strides = array<i32>} : memref<512x64xf32, #tpu.memory_space<vmem>>, vector<16xf32>,
      %get3A_95 = arith.index_cast %scan3A_57 : i32 to index
      %get3A_96 = arith.constant 32 : index
      %get3A_97 = tpu.vector_load %arg8[%get3A_95, %get3A_96] {strides = array<i32>} : memref<256x64xf32, #tpu.memory_space<vmem>>, vector<16xf32>,
      %add3A_98 = arith.addf %get3A_94, %get3A_97 : vector<16xf32>
      %mul3A_99 = arith.constant 8.000000e+00 : f32
      %mul3A_100 = vector.broadcast %mul3A_99 : f32 to vector<16xf32>
      %mul3A_101 = arith.mulf %add3A_98, %mul3A_100 : vector<16xf32>
      %add3A_102 = arith.constant 256 : i32
      %add3A_103 = arith.addi %add3A_102, %scan3A_57 : i32
      %swap3A_104 = arith.index_cast %add3A_103 : i32 to index
      %swap3A_105 = arith.constant 32 : index
      %swap3A_106 = tpu.vector_load %arg7[%swap3A_104, %swap3A_105] {strides = array<i32>} : memref<512x64xf32, #tpu.memory_space<vmem>>, vector<16xf32>,
      tpu.vector_store %arg7[%swap3A_104, %swap3A_105], %mul3A_101 {strides = array<i32>} : memref<512x64xf32, #tpu.memory_space<vmem>>, vector<16xf32>,
      %add3A_107 = arith.constant 256 : i32
      %add3A_108 = arith.addi %add3A_107, %scan3A_57 : i32
      %get3A_109 = arith.index_cast %add3A_108 : i32 to index
      %get3A_110 = arith.constant 48 : index
      %get3A_111 = tpu.vector_load %arg7[%get3A_109, %get3A_110] {strides = array<i32>} : memref<512x64xf32, #tpu.memory_space<vmem>>, vector<16xf32>,
      %get3A_112 = arith.index_cast %scan3A_57 : i32 to index
      %get3A_113 = arith.constant 48 : index
      %get3A_114 = tpu.vector_load %arg8[%get3A_112, %get3A_113] {strides = array<i32>} : memref<256x64xf32, #tpu.memory_space<vmem>>, vector<16xf32>,
      %add3A_115 = arith.addf %get3A_111, %get3A_114 : vector<16xf32>
      %mul3A_116 = arith.constant 8.000000e+00 : f32
      %mul3A_117 = vector.broadcast %mul3A_116 : f32 to vector<16xf32>
      %mul3A_118 = arith.mulf %add3A_115, %mul3A_117 : vector<16xf32>
      %add3A_119 = arith.constant 256 : i32
      %add3A_120 = arith.addi %add3A_119, %scan3A_57 : i32
      %swap3A_121 = arith.index_cast %add3A_120 : i32 to index
      %swap3A_122 = arith.constant 48 : index
      %swap3A_123 = tpu.vector_load %arg7[%swap3A_121, %swap3A_122] {strides = array<i32>} : memref<512x64xf32, #tpu.memory_space<vmem>>, vector<16xf32>,
      tpu.vector_store %arg7[%swap3A_121, %swap3A_122], %mul3A_118 {strides = array<i32>} : memref<512x64xf32, #tpu.memory_space<vmem>>, vector<16xf32>,
    }
    %scan3A_44 = arith.constant 256 : i32
    %dma_wait3A_45 = arith.constant 0 : i32
    %dma_wait3A_46 = arith.constant 0 : i32
    %dma_wait3A_47 = tpu.memref_slice %arg7[%dma_wait3A_45, %dma_wait3A_46] : memref<512x64xf32, #tpu.memory_space<vmem>> -> memref<256x64xf32, #tpu.memory_space<vmem>>
    %dma_wait3A_48 = arith.constant 0 : i32
    %dma_wait3A_49 = tpu.memref_slice %arg5[%mul3A_2, %dma_wait3A_48] : memref<16384x64xf32, #tpu.memory_space<hbm>> -> memref<256x64xf32, #tpu.memory_space<hbm>>
    %dma_wait3A_50 = arith.constant 0 : i32
    %dma_wait3A_51 = tpu.memref_slice %arg5[%mul3A_2, %dma_wait3A_50] : memref<16384x64xf32, #tpu.memory_space<hbm>> -> memref<256x64xf32, #tpu.memory_space<hbm>>
    %dma_wait3A_52 = arith.constant 0 : i32
    %dma_wait3A_53 = arith.constant 0 : i32
    %dma_wait3A_54 = tpu.memref_slice %arg7[%dma_wait3A_52, %dma_wait3A_53] : memref<512x64xf32, #tpu.memory_space<vmem>> -> memref<256x64xf32, #tpu.memory_space<vmem>>
    tpu.wait_dma2 semaphore(%arg9 : memref<!tpu.dma_semaphore, #tpu.memory_space<semaphore_mem>>) src(%dma_wait3A_54 : memref<256x64xf32, #tpu.memory_space<vmem>>) dst(%dma_wait3A_51 : memref<256x64xf32, #tpu.memory_space<hbm>>)
    %add3A_55 = arith.constant 256 : i32
    %add3A_56 = arith.addi %mul3A_2, %add3A_55 : i32
    "tpu.region"() ({
      %run_scoped3A = tpu.sem_alloc : memref<!tpu.dma_semaphore, #tpu.memory_space<semaphore_mem>>
      %dma_start3A_57 = arith.constant 256 : i32
      %dma_start3A_58 = arith.constant 0 : i32
      %dma_start3A_59 = tpu.memref_slice %arg7[%dma_start3A_57, %dma_start3A_58] : memref<512x64xf32, #tpu.memory_space<vmem>> -> memref<256x64xf32, #tpu.memory_space<vmem>>
      %dma_start3A_60 = arith.constant 0 : i32
      %dma_start3A_61 = tpu.memref_slice %arg5[%add3A_56, %dma_start3A_60] : memref<16384x64xf32, #tpu.memory_space<hbm>> -> memref<256x64xf32, #tpu.memory_space<hbm>>
      %dma_start3A_62 = arith.constant 0 : i32
      %dma_start3A_63 = tpu.memref_slice %arg5[%add3A_56, %dma_start3A_62] : memref<16384x64xf32, #tpu.memory_space<hbm>> -> memref<256x64xf32, #tpu.memory_space<hbm>>
      %dma_start3A_64 = arith.constant 256 : i32
      %dma_start3A_65 = arith.constant 0 : i32
      %dma_start3A_66 = tpu.memref_slice %arg7[%dma_start3A_64, %dma_start3A_65] : memref<512x64xf32, #tpu.memory_space<vmem>> -> memref<256x64xf32, #tpu.memory_space<vmem>>
      tpu.enqueue_dma source(%dma_start3A_66 : memref<256x64xf32, #tpu.memory_space<vmem>>) target(%dma_start3A_63 : memref<256x64xf32, #tpu.memory_space<hbm>>) target_semaphore(%run_scoped3A : memref<!tpu.dma_semaphore, #tpu.memory_space<semaphore_mem>>)
      %dma_wait3A_67 = arith.constant 256 : i32
      %dma_wait3A_68 = arith.constant 0 : i32
      %dma_wait3A_69 = tpu.memref_slice %arg7[%dma_wait3A_67, %dma_wait3A_68] : memref<512x64xf32, #tpu.memory_space<vmem>> -> memref<256x64xf32, #tpu.memory_space<vmem>>
      %dma_wait3A_70 = arith.constant 0 : i32
      %dma_wait3A_71 = tpu.memref_slice %arg5[%add3A_56, %dma_wait3A_70] : memref<16384x64xf32, #tpu.memory_space<hbm>> -> memref<256x64xf32, #tpu.memory_space<hbm>>
      %dma_wait3A_72 = arith.constant 0 : i32
      %dma_wait3A_73 = tpu.memref_slice %arg5[%add3A_56, %dma_wait3A_72] : memref<16384x64xf32, #tpu.memory_space<hbm>> -> memref<256x64xf32, #tpu.memory_space<hbm>>
      %dma_wait3A_74 = arith.constant 256 : i32
      %dma_wait3A_75 = arith.constant 0 : i32
      %dma_wait3A_76 = tpu.memref_slice %arg7[%dma_wait3A_74, %dma_wait3A_75] : memref<512x64xf32, #tpu.memory_space<vmem>> -> memref<256x64xf32, #tpu.memory_space<vmem>>
      tpu.wait_dma2 semaphore(%run_scoped3A : memref<!tpu.dma_semaphore, #tpu.memory_space<semaphore_mem>>) src(%dma_wait3A_76 : memref<256x64xf32, #tpu.memory_space<vmem>>) dst(%dma_wait3A_73 : memref<256x64xf32, #tpu.memory_space<hbm>>)
      tpu.yield
    }) : () -> ()
    return
  }
}

</mosaic_0001>

<sc_bundles>
// kernel: kernel.3.cloned.1.call-start
scs
__scs_entry_jumppad:
0x0: {  	(pc) =	sbr.rel $0x88, $3  }
0x1: {  	(tag) =	ssettag $0x0;
	lr =	simm.s32 $0x1  }
0x2: {  	[smem:$0x3F9E] =	sst lr;
	_ =	strace $0xD0000000  }
0x3: {  	_ = 	snop  }
0x4: {  	_ = 	snop  }
0x5: {  	_ = 	snop  }
0x6: {  	_ = 	snop  }
0x7: {  	_ = 	snop  }
__scs_overlays_trampoline_lowered:
0x8: {  	[smem:$0x3FAD] =	sst s0  }
0x9: {  	[smem:$0x3FAE] =	sst s1  }
0xa: {  	[smem:$0x3FAF] =	sst s2  }
0xb: {  	[smem:$0x3FB0] =	sst s3  }
0xc: {  	[smem:$0x3FB1] =	sst s4  }
0xd: {  	[smem:$0x3FB2] =	sst s5  }
0xe: {  	[smem:$0x3FB3] =	sst s6  }
0xf: {  	[smem:$0x3FB4] =	sst s7  }
0x10: {  	[smem:$0x3FB5] =	sst s8  }
0x11: {  	[smem:$0x3FB6] =	sst s9;
	s0 =	simm.s32 @!p0 $0x0  }
0x12: {  	s1 =	sld [smem:$0x3F9C];
	s0 =	simm.s32 @p0 $0x1  }
0x13: {  	[smem:$0x3FB7] =	sst s0;
	s0 =	simm.s32 @!p1 $0x0  }
0x14: {  	s2 =	sld [smem:$0x3F9B];
	s0 =	simm.s32 @p1 $0x1  }
0x15: {  	[smem:$0x3FB8] =	sst s0;
	s0 =	simm.s32 @!p2 $0x0  }
0x16: {  	s3 =	sld [smem:$0x3FDB];
	s0 =	simm.s32 @p2 $0x1  }
0x17: {  	s4 =	simm.s32 $0x1BF5;
	[smem:$0x3FBA] =	sst s0  }
0x18: {  	s0 =	sld [smem:$0x3F9D];
	_ =	swait.ge [sflag:s4], $0x0  }
0x19: {  	s7 =	sld [smem:$0x3F9E]  }
0x1a: {  	s8 =	sadd.s32 $0xFFFFE003, lr  }
0x1b: {  	s9 =	sadd.s32 $0xFFFFFEF7, lr;
	s5 =	simm.s32 $0xFFFFFFFF;
	p2 =	slt.u32 s8, $0xFFFFF086  }
0x1c: {  	p1 =	slt.u32 s9, $0xF7A;
	s5 =	simm.s32 @!p2 $0x0  }
0x1d: {  	s5 =	simm.s32 @p1 $0x1;
	p0 =	seq.s32 s7, s2  }
0x1e: {  	s7 =	smul.u32 @!p0 $0xF7A, s2;
	p2 =	seq.s32 @!p0 s5, $0x0  }
0x1f: {  	s9 =	smul.u32 $0xF7A, s1;
	s8 =	simm.s32 @!p0 $0x1BF5;
	p2 =	por !p2, p0  }
0x20: {  	[sflag:s8] =	ssyncset.s32 @!p0 $0xFFFFF086;
	s6 =	sadd.s32 @!p0 s3, s7;
	s7 =	simm.s32 @!p0 $0x108  }
0x21: {  	s3 =	sadd.s32 s3, s9;
	s6 =	sadd.s32 @!p0 $0x88, s6;
	s7 =	simm.s32 @p2 $0x1082  }
0x22: {  	[simem:s7], [sflag:s8] =	dma.local @!p0 [hbm:s6], $0xF7A  }
0x23: {  	s9 =	sor.u32 $0xD0000000, s2;
	s6 =	simm.s32 $0x108;
	_ =	swait.ge @!p0 [sflag:s8], $0x0  }
0x24: {  	s3 =	sadd.s32 $0x88, s3;
	s6 =	simm.s32 @!p1 $0x1082;
	[sflag:s4] =	ssyncset.s32 $0xFFFFF086  }
0x25: {  	[simem:s6], [sflag:s4] =	dma.local [hbm:s3], $0xF7A  }
0x26: {  	[smem:$0x3F9E] =	sst s1;
	(tag) =	ssettag s2;
	_ =	strace s9  }
0x27: {  	s1 =	sld [smem:$0x3FAE]  }
0x28: {  	s2 =	sld [smem:$0x3FAF]  }
0x29: {  	s4 =	sld [smem:$0x3FB1]  }
0x2a: {  	p0 =	seq.s32 s5, $0x0;
	s5 =	sld [smem:$0x3FB2]  }
0x2b: {  	s6 =	sld [smem:$0x3FB3]  }
0x2c: {  	s7 =	sld [smem:$0x3FB4]  }
0x2d: {  	s3 =	simm.s32 $0x108;
	s8 =	sld [smem:$0x3FB5]  }
0x2e: {  	s3 =	simm.s32 @!p0 $0x1082;
	s9 =	sld [smem:$0x3FB6]  }
0x2f: {  	lr =	sadd.s32 s0, s3;
	s0 =	sld [smem:$0x3FAD]  }
0x30: {  	s3 =	sld [smem:$0x3FB0]  }
0x31: {  	[smem:$0x3FB9] =	sst s10  }
0x32: {  	s10 =	sld [smem:$0x3FB7];
	_ =	sdelay $0x3  }
0x33: {  	p0 =	seq.s32 s10, $0x1;
	s10 =	sld [smem:$0x3FB9];
	_ =	sdelay $0x3  }
0x34: {  	[smem:$0x3FB9] =	sst s10  }
0x35: {  	s10 =	sld [smem:$0x3FB8];
	_ =	sdelay $0x3  }
0x36: {  	p1 =	seq.s32 s10, $0x1;
	s10 =	sld [smem:$0x3FB9];
	_ =	sdelay $0x3  }
0x37: {  	[smem:$0x3FB9] =	sst s10  }
0x38: {  	s10 =	sld [smem:$0x3FBA]  }
0x39: {  	_ = 	snop;
	(pc) =	sbr.ind lr, $3  }
0x3a: {  	_ = 	snop  }
0x3b: {  	_ = 	snop  }
0x3c: {  	p2 =	seq.s32 s10, $0x1;
	s10 =	sld [smem:$0x3FB9]  }
0x3d: {  	_ =	shalt  }
0x3e: {  	_ =	shalt  }
0x3f: {  	_ =	shalt  }
0x40: {  	_ =	shalt  }
0x41: {  	_ =	shalt  }
0x42: {  	_ =	shalt  }
0x43: {  	_ =	shalt  }
0x44: {  	_ =	shalt  }
0x45: {  	_ =	shalt  }
0x46: {  	_ =	shalt  }
0x47: {  	_ =	shalt  }
0x48: {  	_ =	shalt  }
0x49: {  	_ =	shalt  }
0x4a: {  	_ =	shalt  }
0x4b: {  	_ =	shalt  }
0x4c: {  	_ =	shalt  }
0x4d: {  	_ =	shalt  }
0x4e: {  	_ =	shalt  }
0x4f: {  	_ =	shalt  }
0x50: {  	_ =	shalt  }
0x51: {  	_ =	shalt  }
0x52: {  	_ =	shalt  }
0x53: {  	_ =	shalt  }
0x54: {  	_ =	shalt  }
0x55: {  	_ =	shalt  }
0x56: {  	_ =	shalt  }
0x57: {  	_ =	shalt  }
0x58: {  	_ =	shalt  }
0x59: {  	_ =	shalt  }
0x5a: {  	_ =	shalt  }
0x5b: {  	_ =	shalt  }
0x5c: {  	_ =	shalt  }
0x5d: {  	_ =	shalt  }
0x5e: {  	_ =	shalt  }
0x5f: {  	_ =	shalt  }
0x60: {  	_ =	shalt  }
0x61: {  	_ =	shalt  }
0x62: {  	_ =	shalt  }
0x63: {  	_ =	shalt  }
0x64: {  	_ =	shalt  }
0x65: {  	_ =	shalt  }
0x66: {  	_ =	shalt  }
0x67: {  	_ =	shalt  }
0x68: {  	_ =	shalt  }
0x69: {  	_ =	shalt  }
0x6a: {  	_ =	shalt  }
0x6b: {  	_ =	shalt  }
0x6c: {  	_ =	shalt  }
0x6d: {  	_ =	shalt  }
0x6e: {  	_ =	shalt  }
0x6f: {  	_ =	shalt  }
0x70: {  	_ =	shalt  }
0x71: {  	_ =	shalt  }
0x72: {  	_ =	shalt  }
0x73: {  	_ =	shalt  }
0x74: {  	_ =	shalt  }
0x75: {  	_ =	shalt  }
0x76: {  	_ =	shalt  }
0x77: {  	_ =	shalt  }
0x78: {  	_ =	shalt  }
0x79: {  	_ =	shalt  }
0x7a: {  	_ =	shalt  }
0x7b: {  	_ =	shalt  }
0x7c: {  	_ =	shalt  }
0x7d: {  	_ =	shalt  }
0x7e: {  	_ =	shalt  }
0x7f: {  	_ =	shalt  }
0x80: {  	_ =	shalt  }
0x81: {  	_ =	shalt  }
0x82: {  	_ =	shalt  }
0x83: {  	_ =	shalt  }
0x84: {  	_ =	shalt  }
0x85: {  	_ =	shalt  }
0x86: {  	_ =	shalt  }
0x87: {  	_ =	shalt  }
.Lfunc_end0:
.L_simem_size_0:
called_computation_lowered:
.L_overlay_start_0:
0x88: {  	s2 =	sld [smem:$0x3FD9]  }
0x89: {  	s3 =	sld [smem:$0x3FFE];
	_ =	sdelay $0x1  }
0x8a: {  	s1 =	srdreg.scid  }
0x8b: {  	s0 =	sand.u32 $0x1, s1  }
0x8c: {  	s17 =	sshll.u32 s0, $0xA;
	s2 =	sadd.s32 s3, s2  }
0x8d: {  	s2 =	sadd.s32 s2, s17  }
0x8e: {  	[smem:$0x3FC5] =	sst s2  }
0x8f: {  	_ = 	snop  }
0x90: {  	s2 =	sld [smem:$0x3FD0];
	(tm) =	ssettm $0x1  }
0x91: {  	s18 =	sld [smem:$0x3FFB];
	_ =	sdelay $0x3  }
0x92: {  	_ =	strace s18  }
0x93: {  	s3 =	sld [smem:$0x3FFC];
	_ =	sdelay $0x3  }
0x94: {  	_ =	strace s3  }
0x95: {  	s3 =	sld [smem:$0x3FFD];
	_ =	sdelay $0x3  }
0x96: {  	_ =	strace s3  }
0x97: {  	_ =	strace $0x8FFFFFFF  }
0x98: {  	s19 =	sld [smem:$0x3FDB];
	_ =	sdelay $0x1  }
0x99: {  	s4 =	simm.s32 $_scs_section_size  }
0x9a: {  	s5 =	simm.s32 $_size__tile_overlayer_lowered;
	s6 =	simm.s32 $_tile_overlayer_lowered  }
0x9b: {  	s22 =	simm.s32 $0x1BFF;
	s21 =	sshll.u32 s6, $0x1;
	s3 =	sadd.s32 s4, s19  }
0x9c: {  	s7 =	simm.s32 $0x0;
	s20 =	sshll.u32 s5, $0x1;
	s5 =	sadd.s32 s21, s3  }
0x9d: {  	[timem:s7], [sflag:s22] =	dma.local [hbm:s5], s20  }
0x9e: {  	_ =	swait.ge [sflag:s22], s20  }
0x9f: {  	s4 =	ssub.s32 $0x0, s20;
	[sflag:s22] =	ssyncset.done $0x0  }
0xa0: {  	[sflag:s22] =	ssyncadd.s32 s4;
	_ =	sdelay $0x1  }
0xa1: {  	s23 =	simm.s32 $0x1B8B  }
0xa2: {  	_ =	swait.ge [sflag:s23], $0x1  }
0xa3: {  	[sflag:s23] =	ssyncset.done $0x0  }
0xa4: {  	s25 =	simm.s32 $0x1B8E;
	s24 =	sld [smem:$0x3FFE];
	[sflag:s23] =	ssyncadd.s32 $0xFFFFFFFF  }
0xa5: {  	s26 =	simm.s32 $execute0_lowered;
	[smem:$0x3FD2] =	sst s25  }
0xa6: {  	s5 =	sshll.u32 s26, $0x1;
	_ =	strace $0x80000046;
	[dreg:$0x1] =	wrdreg $0xFFFFFFFF  }
0xa7: {  	s28 =	simm.s32 $_size_execute0_lowered;
	s3 =	sadd.s32 s3, s5;
	[dreg:$0x0] =	wrdreg $0x0  }
0xa8: {  	s5 =	sshll.u32 s28, $0x1;
	[dreg:$0x2] =	wrdreg s3  }
0xa9: {  	[dreg:$0x3] =	wrdreg s5  }
0xaa: {  	[dreg:$0x4] =	wrdreg $0xC0  }
0xab: {  	_ =	task [dreg:s7], $0x5FFFF  }
0xac: {  	[dreg:$0x1] =	wrdreg $0xFFFFFFFF  }
0xad: {  	[dreg:$0x0] =	wrdreg $0x60  }
0xae: {  	[dreg:$0x2] =	wrdreg s24  }
0xaf: {  	[dreg:$0x3] =	wrdreg s2  }
0xb0: {  	[dreg:$0x4] =	wrdreg $0x9  }
0xb1: {  	_ =	task.clear_ibuf [dreg:s7], $0x5FFFF;
	_ =	strace $0x90000046  }
0xb2: {  	s29 =	simm.s32 $0x9;
	_ =	strace $0x80000048  }
0xb3: {  	_ =	swait.ge [sflag:s29], $0x1  }
0xb4: {  	[sflag:s29] =	ssyncadd.s32 $0xFFFFFFFF  }
0xb5: {  	_ =	strace $0x90000048  }
0xb6: {  	_ =	sfence  }
0xb7: {  	s30 =	sld [smem:$0x0];
	_ =	sdelay $0x2  }
0xb8: {  	s31 =	sshll.u32 s1, $0xD;
	s1 =	sshrl.u32 s1, $0x2  }
0xb9: {  	s3 =	sand.u32 $0x4000, s31;
	s1 =	sadd.s32 s1, s30  }
0xba: {  	s0 =	sor.u32 s3, s0;
	s1 =	sshll.u32 s1, $0x11  }
0xbb: {  	s0 =	sor.u32 s1, s0  }
0xbc: {  	s0 =	sadd.s32 $0x8F2B, s0  }
0xbd: {  	[sflag:s0] =	ssyncadd.remote.s32 $0x1  }
0xbe: {  	_ =	sfence.sel $0xFFFF  }
0xbf: {  	[dreg:$0x0] =	wrdreg $0xFFFFFFFF;
	(pc) =	sbr.abs _section_cstart, $3  }
0xc0: {  	[dreg:$0x1] =	wrdreg $0xFFFFFFFF  }
0xc1: {  	_ =	task.clear_ibuf [dreg:s7], $0x2FFFF;
	_ =	strace $0x9FFFFFFF  }
0xc2: {  	(tm) =	ssettm $0x7FFFFFFF  }
0xc3: {  	_ =	shalt  }
tec
execute0_lowered:
.L_overlay_start_1:
0x0: {  	(tag) =	ssettag $0x1  }
0x1: {  	s0 =	rddreg [dreg:$0x0]  }
0x2: {  	s1 =	rddreg [dreg:$0x1]  }
0x3: {  	s2 =	srdreg.scid;
	s4 =	stileid.u32;
	s11 =	simm.s32 $0x3  }
0x4: {  	s12 =	simm.s32 $0x1;
	s13 =	simm.s32 $0x2;
	s3 =	sand.u32 $0x1, s2  }
0x5: {  	s2 =	simm.s32 $0x0;
	s4 =	sshll.u32 s4, $0xA;
	s5 =	sshll.u32 s3, $0x9  }
0x6: {  	s16 =	simm.s32 $0x0;
	[smem:$0x7FF] =	sst s2;
	s4 =	sor.u32 s5, s4  }
0x7: {  	s6 =	ssub.s32 $0x2, s3;
	s3 =	sadd.s32 $0xC00, s0;
	s5 =	sshrl.u32 s4, $0x3  }
0x8: {  	vm0 =	vmmov $0x1;
	_ =	strace $0x80000047;
	s4 =	sshll.u32 s4, $0x4;
	s5 =	sadd.s32 s5, s0  }
0x9: {  	vm1 =	vcmask $0x308;
	vm2 =	vcmask $0x70C;
	vm3 =	vcmask $0xB10;
	s7 =	sshrl.u32 s6, $0x1;
	s0 =	sadd.s32 s4, s0;
	s29 =	sadd.s32 $0x400, s5  }
0xa: {  	vm4 =	vcmask $0xF14;
	vm5 =	vcmask $0x1318;
	vm6 =	vcmask $0x171C;
	s8 =	sand.u32 $0xE000, s4;
	s30 =	sadd.s32 $0xF43000, s0;
	[dreg:$0x3] =	wrdreg s29  }
0xb: {  	vm7 =	vcmask $0x1B20;
	vm8 =	vcmask $0x1F24;
	vm9 =	vcmask $0x2328;
	s4 =	sadd.s32 s1, s8;
	s0 =	sadd.s32 $0xF44000, s0;
	[dreg:$0x4] =	wrdreg s30  }
0xc: {  	vm10 =	vcmask $0x272C;
	vm11 =	vcmask $0x2B30;
	vm12 =	vcmask $0x2F34;
	s9 =	ssub.s32 s6, s7;
	s31 =	sadd.s32 $0x1000, s4;
	[dreg:$0x6] =	wrdreg s0  }
0xd: {  	vm13 =	vcmask $0x3338;
	vm14 =	vcmask $0x373C;
	vm15 =	vmmov $0x7fff;
	s6 =	simm.s32 $0x10200;
	s9 =	smax.u32 s9, $0x1;
	[dreg:$0x5] =	wrdreg s31  }
.LBB2_1:
0xe: {  	[tilespmem:s6], [sflag:$0x2] =	stream.linear.gather [hbm4b:s4+s2], $0x8000, $0x38;
	[tilespmem:$0x18200] =	vst v63  }
0xf: {  	s0 =	rddreg [dreg:$0x3]  }
0x10: {  	[tilespmem:s2], [sflag:$0x3] =	stream.linear.gather [hbm4b:s0+s2], $0x200, $0x38;
	[tilespmem:$0x18200] =	vst v63  }
0x11: {  	_ =	swait.ge [sflag:s11], $0x200  }
0x12: {  	[sflag:s11] =	ssyncset.done $0x0  }
0x13: {  	[sflag:s11] =	ssyncadd.s32 $0xFFFFFE00  }
0x14: {  	v0 =	vld [tilespmem:s2+$0x0];
	_ =	sdelay $0x4  }
0x15: {  	v1 =	vnsel vm0, $0x0, v0  }
0x16: {  	v2 =	vsel vm2, $0x0, v0;
	(xrf0) =	vadd.scan.msk.s32 $0xffff, v1  }
0x17: {  	v40 =	vsel vm3, $0x0, v0;
	(xrf0) =	vadd.scan.msk.s32 $0xffff, v2  }
0x18: {  	v41 =	vsel vm1, $0x0, v0;
	(xrf0) =	vadd.scan.msk.s32 $0xffff, v40  }
0x19: {  	(xrf0) =	vadd.scan.msk.s32 $0xffff, v41;
	_ =	sdelay $0x2  }
0x1a: {  	v42, _, _ =	vpop (xrf0)  }
0x1b: {  	v43 =	vsel vm8, $0x0, v0;
	(v2sf) =	vpush v42, $0xF;
	v44, _, _ =	vpop (xrf0)  }
0x1c: {  	v3 =	vsel vm9, $0x0, v0;
	(xrf0) =	vadd.scan.msk.s32 $0xffff, v43;
	(v2sf) =	vpush v44, $0xF;
	v45, _, _ =	vpop (xrf0)  }
0x1d: {  	v46 =	vsel vm5, $0x0, v0;
	(xrf0) =	vadd.scan.msk.s32 $0xffff, v3;
	v47, _, _ =	vpop (xrf0);
	(v2sf) =	vpush v45, $0xF  }
0x1e: {  	v48 =	vsel vm4, $0x0, v0;
	(xrf0) =	vadd.scan.msk.s32 $0xffff, v46;
	(v2sf) =	vpush v47, $0xF  }
0x1f: {  	(xrf0) =	vadd.scan.msk.s32 $0xffff, v48;
	_ =	sdelay $0x1  }
0x20: {  	v49 =	vsel vm10, $0x0, v0  }
0x21: {  	v50 =	vsel vm11, $0x0, v0;
	(xrf0) =	vadd.scan.msk.s32 $0xffff, v49;
	v51, _, _ =	vpop (xrf0)  }
0x22: {  	v52 =	vsel vm12, $0x0, v0;
	(xrf0) =	vadd.scan.msk.s32 $0xffff, v50;
	v53, _, _ =	vpop (xrf0)  }
0x23: {  	v4 =	vsel vm13, $0x0, v0;
	(xrf0) =	vadd.scan.msk.s32 $0xffff, v52;
	(v2sf) =	vpush v51, $0xF;
	v54, _, _ =	vpop (xrf0)  }
0x24: {  	v55 =	vsel vm14, $0x0, v0;
	(xrf0) =	vadd.scan.msk.s32 $0xffff, v4;
	v56, _, _ =	vpop (xrf0)  }
0x25: {  	v5 =	vsel vm6, $0x0, v0;
	(xrf0) =	vadd.scan.msk.s32 $0xffff, v55;
	(v2sf) =	vpush v56, $0xF  }
0x26: {  	v57 =	vsel vm7, $0x0, v0;
	(xrf0) =	vadd.scan.msk.s32 $0xffff, v5  }
0x27: {  	s17 =	simm.s32 $0x2000;
	s18 =	simm.s32 $0x0;
	s7 =	simm.s32 $0x300;
	(xrf0) =	vadd.scan.msk.s32 $0xffff, v57;
	v58, _, _ =	vpop (xrf0);
	(v2sf) =	vpush v54, $0xF  }
0x28: {  	s1 =	simm.s32 $0x400;
	s22 =	simm.s32 $0x580;
	s14 =	simm.s32 $0x200;
	v59, _, _ =	vpop (xrf0)  }
0x29: {  	s26 =	simm.s32 $0x280;
	s23 =	simm.s32 $0x500;
	(v2sf) =	vpush v58, $0xF;
	v60, _, _ =	vpop (xrf0);
	s19 =	spop (v2sf)  }
0x2a: {  	s28 =	simm.s32 $0x480;
	v61, _, _ =	vpop (xrf0);
	s19 =	sshll.u32 s19, $0x4;
	s29 =	spop (v2sf)  }
0x2b: {  	s21 =	simm.s32 $0x800;
	v62, _, _ =	vpop (xrf0);
	(v2sf) =	vpush v53, $0xF;
	s19 =	sand.u32 $0x1FFFFFF0, s19;
	s30 =	spop (v2sf)  }
0x2c: {  	s20 =	simm.s32 $0x880;
	v63, _, _ =	vpop (xrf0);
	s19 =	sadd.s32 s3, s19;
	s24 =	spop (v2sf)  }
0x2d: {  	v6, _, _ =	vpop (xrf0);
	(v2sf) =	vpush v63, $0xF;
	[tilespmem:s14], [sflag:$0x1] =	stream.linear.gather [hbm4b:s19+s2], $0x80, $0x38;
	[tilespmem:$0x18200] =	vst v63  }
0x2e: {  	s25 =	simm.s32 $0x700;
	(v2sf) =	vpush v6, $0xF;
	s29 =	sshll.u32 s29, $0x4;
	s8 =	sshll.u32 s24, $0x4  }
0x2f: {  	s31 =	simm.s32 $0x600;
	s29 =	sand.u32 $0x1FFFFFF0, s29;
	s14 =	sand.u32 $0x1FFFFFF0, s8  }
0x30: {  	s30 =	sshll.u32 s30, $0x4;
	(v2sf) =	vpush v59, $0xF;
	s19 =	simm.s32 $0x10;
	s14 =	sadd.s32 s3, s14  }
0x31: {  	[tilespmem:s26], [sflag:$0x1] =	stream.linear.gather [hbm4b:s14+s2], $0x80, $0x38;
	[tilespmem:$0x18200] =	vst v63  }
0x32: {  	s15 =	sand.u32 $0x1FFFFFF0, s30;
	s29 =	sadd.s32 s3, s29;
	s10 =	spop (v2sf)  }
0x33: {  	v0 =	vsel vm15, $0x0, v0;
	[tilespmem:s7], [sflag:$0x1] =	stream.linear.gather [hbm4b:s29+s2], $0x80, $0x38;
	[tilespmem:$0x18200] =	vst v63  }
0x34: {  	(xrf0) =	vadd.scan.msk.s32 $0xffff, v0;
	(v2sf) =	vpush v60, $0xF;
	s26 =	sadd.s32 s3, s15;
	s29 =	simm.s32 $0x380;
	s30 =	spop (v2sf)  }
0x35: {  	[tilespmem:s29], [sflag:$0x1] =	stream.linear.gather [hbm4b:s26+s2], $0x80, $0x38;
	[tilespmem:$0x18200] =	vst v63  }
0x36: {  	s24 =	simm.s32 $0x780;
	(v2sf) =	vpush v61, $0xF;
	s0 =	sshll.u32 s30, $0x4;
	s29 =	spop (v2sf)  }
0x37: {  	s14 =	sshll.u32 s10, $0x4;
	s0 =	sand.u32 $0x1FFFFFF0, s0;
	s29 =	sshll.u32 s29, $0x4  }
0x38: {  	s5 =	spop (v2sf);
	s29 =	sand.u32 $0x1FFFFFF0, s29;
	s0 =	sadd.s32 s3, s0  }
0x39: {  	[tilespmem:s1], [sflag:$0x1] =	stream.linear.gather [hbm4b:s0+s2], $0x80, $0x38;
	[tilespmem:$0x18200] =	vst v63  }
0x3a: {  	s26 =	simm.s32 $0x680;
	s6 =	sadd.s32 s3, s29;
	s15 =	spop (v2sf);
	(v2sf) =	vpush v62, $0xF  }
0x3b: {  	v0, _, _ =	vpop (xrf0);
	[tilespmem:s28], [sflag:$0x1] =	stream.linear.gather [hbm4b:s6+s2], $0x80, $0x38;
	[tilespmem:$0x18200] =	vst v63  }
0x3c: {  	s7 =	sshll.u32 s5, $0x4;
	s0 =	sand.u32 $0x1FFFFFF0, s14;
	s8 =	spop (v2sf);
	(v2sf) =	vpush v0, $0xF  }
0x3d: {  	s1 =	sand.u32 $0x1FFFFFF0, s7;
	s14 =	sshll.u32 s8, $0x4;
	s10 =	spop (v2sf)  }
0x3e: {  	s29 =	sshll.u32 s15, $0x4;
	s28 =	sand.u32 $0x1FFFFFF0, s14;
	s14 =	sshll.u32 s10, $0x4  }
.LBB2_2:
0x3f: {  	s15 =	sadd.s32 s3, s28;
	s14 =	sand.u32 $0x1FFFFFF0, s14;
	s28 =	spop (v2sf)  }
0x40: {  	[tilespmem:s23], [sflag:$0x1] =	stream.linear.gather [hbm4b:s15+s2], $0x80, $0x38;
	[tilespmem:$0x18200] =	vst v63  }
0x41: {  	s14 =	sadd.s32 s3, s14;
	s15 =	sand.u32 $0x1FFFFFF0, s29;
	s23 =	sshll.u32 s28, $0x4  }
0x42: {  	[tilespmem:s22], [sflag:$0x1] =	stream.linear.gather [hbm4b:s14+s2], $0x80, $0x38;
	[tilespmem:$0x18200] =	vst v63  }
0x43: {  	s0 =	sadd.s32 s3, s0;
	s14 =	sand.u32 $0x1FFFFFF0, s23;
	s22 =	spop (v2sf)  }
0x44: {  	[tilespmem:s31], [sflag:$0x1] =	stream.linear.gather [hbm4b:s0+s2], $0x80, $0x38;
	[tilespmem:$0x18200] =	vst v63  }
0x45: {  	s0 =	sadd.s32 s3, s15;
	s15 =	sshll.u32 s22, $0x4;
	s22 =	spop (v2sf)  }
0x46: {  	[tilespmem:s26], [sflag:$0x1] =	stream.linear.gather [hbm4b:s0+s2], $0x80, $0x38;
	[tilespmem:$0x18200] =	vst v63  }
0x47: {  	s0 =	sadd.s32 s3, s1;
	s1 =	sand.u32 $0x1FFFFFF0, s15;
	s15 =	sshll.u32 s22, $0x4  }
0x48: {  	[tilespmem:s25], [sflag:$0x1] =	stream.linear.gather [hbm4b:s0+s2], $0x80, $0x38;
	[tilespmem:$0x18200] =	vst v63  }
0x49: {  	s0 =	sadd.s32 s3, s14;
	s14 =	sand.u32 $0x1FFFFFF0, s15;
	s15 =	spop (v2sf)  }
0x4a: {  	[tilespmem:s24], [sflag:$0x1] =	stream.linear.gather [hbm4b:s0+s2], $0x80, $0x38;
	[tilespmem:$0x18200] =	vst v63  }
0x4b: {  	s0 =	sadd.s32 s3, s1;
	s1 =	sshll.u32 s15, $0x4;
	s15 =	spop (v2sf)  }
0x4c: {  	[tilespmem:s21], [sflag:$0x1] =	stream.linear.gather [hbm4b:s0+s2], $0x80, $0x38;
	[tilespmem:$0x18200] =	vst v63  }
0x4d: {  	s1 =	sand.u32 $0x1FFFFFF0, s1;
	s0 =	sadd.s32 s3, s14;
	s14 =	sshll.u32 s15, $0x4  }
0x4e: {  	[tilespmem:s20], [sflag:$0x1] =	stream.linear.gather [hbm4b:s0+s2], $0x80, $0x38;
	[tilespmem:$0x18200] =	vst v63  }
0x4f: {  	s1 =	sadd.s32 s3, s1;
	s14 =	sand.u32 $0x1FFFFFF0, s14;
	s0 =	sadd.s32 $0x900, s18  }
0x50: {  	[tilespmem:s0], [sflag:$0x1] =	stream.linear.gather [hbm4b:s1+s2], $0x80, $0x38;
	[tilespmem:$0x18200] =	vst v63  }
0x51: {  	p0 =	sne.s32 s17, $0x3E000;
	s0 =	sadd.s32 $0x980, s18;
	s1 =	sadd.s32 s3, s14  }
0x52: {  	[tilespmem:s0], [sflag:$0x1] =	stream.linear.gather [hbm4b:s1+s2], $0x80, $0x38;
	[tilespmem:$0x18200] =	vst v63  }
0x53: {  	s0 =	smov.u32 s17;
	s17 =	sadd.s32 $0x2000, s17;
	v0 =	vld [tilespmem:s19+$0x0];
	_ =	sdelay $0x4  }
0x54: {  	v1 =	vnsel vm0, $0x0, v0;
	v2 =	vsel vm3, $0x0, v0;
	v3 =	vsel vm14, $0x0, v0  }
0x55: {  	v4 =	vsel vm2, $0x0, v0;
	v5 =	vsel vm15, $0x0, v0;
	(xrf0) =	vadd.scan.msk.s32 $0xffff, v1  }
0x56: {  	v6 =	vsel vm6, $0x0, v0;
	v1 =	vsel vm1, $0x0, v0;
	(xrf0) =	vadd.scan.msk.s32 $0xffff, v4  }
0x57: {  	v4 =	vsel vm7, $0x0, v0;
	(xrf0) =	vadd.scan.msk.s32 $0xffff, v2  }
0x58: {  	v2 =	vsel vm8, $0x0, v0;
	(xrf0) =	vadd.scan.msk.s32 $0xffff, v1  }
0x59: {  	v1 =	vsel vm9, $0x0, v0;
	(xrf0) =	vadd.scan.msk.s32 $0xffff, v2  }
0x5a: {  	v2 =	vsel vm5, $0x0, v0;
	(xrf0) =	vadd.scan.msk.s32 $0xffff, v1  }
0x5b: {  	v1 =	vsel vm4, $0x0, v0;
	v7, _, _ =	vpop (xrf0);
	(xrf0) =	vadd.scan.msk.s32 $0xffff, v2  }
0x5c: {  	v2 =	vsel vm10, $0x0, v0;
	(v2sf) =	vpush v7, $0xF;
	v7, _, _ =	vpop (xrf0);
	(xrf0) =	vadd.scan.msk.s32 $0xffff, v1  }
0x5d: {  	v9 =	vsel vm11, $0x0, v0;
	(v2sf) =	vpush v7, $0xF;
	v7, _, _ =	vpop (xrf0);
	(xrf0) =	vadd.scan.msk.s32 $0xffff, v2  }
0x5e: {  	s18 =	sshra.s32 s0, $0x2;
	v2 =	vsel vm12, $0x0, v0;
	v8, _, _ =	vpop (xrf0);
	(v2sf) =	vpush v7, $0xF;
	(xrf0) =	vadd.scan.msk.s32 $0xffff, v9  }
0x5f: {  	s29 =	sadd.s32 $0x300, s18;
	v7 =	vsel vm13, $0x0, v0;
	(v2sf) =	vpush v8, $0xF;
	v1, _, _ =	vpop (xrf0);
	(xrf0) =	vadd.scan.msk.s32 $0xffff, v2  }
0x60: {  	s28 =	sadd.s32 $0x400, s18;
	s22 =	sadd.s32 $0x580, s18;
	(v2sf) =	vpush v1, $0xF;
	v1, _, _ =	vpop (xrf0);
	(xrf0) =	vadd.scan.msk.s32 $0xffff, v7  }
0x61: {  	s0 =	sadd.s32 $0x200, s18;
	s1 =	sadd.s32 $0x280, s18;
	v0, _, _ =	vpop (xrf0);
	(xrf0) =	vadd.scan.msk.s32 $0xffff, v3  }
0x62: {  	s23 =	sadd.s32 $0x500, s18;
	v2, _, _ =	vpop (xrf0);
	(xrf0) =	vadd.scan.msk.s32 $0xffff, v6  }
0x63: {  	s30 =	sadd.s32 $0x480, s18;
	(v2sf) =	vpush v2, $0xF;
	(xrf0) =	vadd.scan.msk.s32 $0xffff, v4;
	v2, _, _ =	vpop (xrf0)  }
0x64: {  	(v2sf) =	vpush v0, $0xF;
	v0, _, _ =	vpop (xrf0);
	(xrf0) =	vadd.scan.msk.s32 $0xffff, v5  }
0x65: {  	(v2sf) =	vpush v2, $0xF;
	v2, _, _ =	vpop (xrf0)  }
0x66: {  	v3, _, _ =	vpop (xrf0)  }
0x67: {  	v4, _, _ =	vpop (xrf0)  }
0x68: {  	v5, _, _ =	vpop (xrf0);
	(v2sf) =	vpush v1, $0xF  }
0x69: {  	v1, _, _ =	vpop (xrf0)  }
0x6a: {  	s19 =	sadd.s32 $0x10, s19;
	s21 =	sadd.s32 $0x800, s18;
	s20 =	sadd.s32 $0x880, s18;
	(v2sf) =	vpush v5, $0xF;
	v5, _, _ =	vpop (xrf0)  }
0x6b: {  	s25 =	sadd.s32 $0x700, s18;
	s24 =	sadd.s32 $0x780, s18;
	s14 =	spop (v2sf)  }
0x6c: {  	s26 =	sadd.s32 $0x680, s18;
	s14 =	sshll.u32 s14, $0x4;
	s15 =	spop (v2sf);
	(v2sf) =	vpush v1, $0xF  }
0x6d: {  	s14 =	sand.u32 $0x1FFFFFF0, s14;
	s15 =	sshll.u32 s15, $0x4;
	s31 =	spop (v2sf)  }
0x6e: {  	s14 =	sadd.s32 s3, s14;
	s15 =	sand.u32 $0x1FFFFFF0, s15;
	s10 =	spop (v2sf)  }
0x6f: {  	s31 =	sshll.u32 s31, $0x4;
	s10 =	sshll.u32 s10, $0x4;
	s5 =	spop (v2sf)  }
0x70: {  	s6 =	sand.u32 $0x1FFFFFF0, s31;
	s10 =	sand.u32 $0x1FFFFFF0, s10;
	s5 =	sshll.u32 s5, $0x4;
	(v2sf) =	vpush v0, $0xF  }
0x71: {  	[tilespmem:s0], [sflag:$0x1] =	stream.linear.gather [hbm4b:s14+s2], $0x80, $0x38;
	[tilespmem:$0x18200] =	vst v63  }
0x72: {  	s31 =	sadd.s32 $0x600, s18;
	s0 =	sand.u32 $0x1FFFFFF0, s5;
	s5 =	spop (v2sf)  }
0x73: {  	s14 =	sadd.s32 $0x380, s18;
	s5 =	sshll.u32 s5, $0x4;
	s7 =	spop (v2sf)  }
0x74: {  	s5 =	sand.u32 $0x1FFFFFF0, s5;
	s7 =	sshll.u32 s7, $0x4;
	s8 =	spop (v2sf);
	(v2sf) =	vpush v2, $0xF  }
0x75: {  	s10 =	sadd.s32 s3, s10;
	s7 =	sand.u32 $0x1FFFFFF0, s7;
	s8 =	sshll.u32 s8, $0x4  }
0x76: {  	[tilespmem:s1], [sflag:$0x1] =	stream.linear.gather [hbm4b:s10+s2], $0x80, $0x38;
	(v2sf) =	vpush v3, $0xF;
	[tilespmem:$0x18200] =	vst v63  }
0x77: {  	s10 =	sadd.s32 s3, s15;
	s1 =	sand.u32 $0x1FFFFFF0, s8;
	s8 =	spop (v2sf)  }
0x78: {  	[tilespmem:s29], [sflag:$0x1] =	stream.linear.gather [hbm4b:s10+s2], $0x80, $0x38;
	[tilespmem:$0x18200] =	vst v63  }
0x79: {  	s6 =	sadd.s32 s3, s6;
	s29 =	sshll.u32 s8, $0x4;
	s8 =	spop (v2sf)  }
0x7a: {  	[tilespmem:s14], [sflag:$0x1] =	stream.linear.gather [hbm4b:s6+s2], $0x80, $0x38;
	[tilespmem:$0x18200] =	vst v63  }
.Ltmp0:
0x7b: {  	(v2sf) =	vpush v4, $0xF;
	(pc) =	sbr.rel @p0 .LBB2_2-.Ltmp0, $4  }
0x7c: {  	s5 =	sadd.s32 s3, s5;
	s6 =	sshll.u32 s8, $0x4;
	s8 =	spop (v2sf)  }
0x7d: {  	[tilespmem:s28], [sflag:$0x1] =	stream.linear.gather [hbm4b:s5+s2], $0x80, $0x38;
	(v2sf) =	vpush v5, $0xF;
	[tilespmem:$0x18200] =	vst v63  }
0x7e: {  	s5 =	sadd.s32 s3, s7;
	s28 =	sand.u32 $0x1FFFFFF0, s6;
	s14 =	sshll.u32 s8, $0x4  }
0x7f: {  	[tilespmem:s30], [sflag:$0x1] =	stream.linear.gather [hbm4b:s5+s2], $0x80, $0x38;
	[tilespmem:$0x18200] =	vst v63  }
0x80: {  	s5 =	sadd.s32 s3, s28;
	s6 =	sand.u32 $0x1FFFFFF0, s14;
	s7 =	spop (v2sf)  }
0x81: {  	[tilespmem:s23], [sflag:$0x1] =	stream.linear.gather [hbm4b:s5+s2], $0x80, $0x38;
	[tilespmem:$0x18200] =	vst v63  }
0x82: {  	s28 =	sand.u32 $0x1FFFFFF0, s29;
	s0 =	sadd.s32 s3, s0;
	s23 =	sadd.s32 s3, s6  }
0x83: {  	[tilespmem:s22], [sflag:$0x1] =	stream.linear.gather [hbm4b:s23+s2], $0x80, $0x38;
	[tilespmem:$0x18200] =	vst v63  }
0x84: {  	s10 =	sadd.s32 s3, s1;
	s7 =	sshll.u32 s7, $0x4;
	s30 =	spop (v2sf)  }
0x85: {  	[tilespmem:s31], [sflag:$0x1] =	stream.linear.gather [hbm4b:s0+s2], $0x80, $0x38;
	[tilespmem:$0x18200] =	vst v63  }
0x86: {  	s6 =	sadd.s32 s3, s28;
	s29 =	sand.u32 $0x1FFFFFF0, s7;
	s7 =	sshll.u32 s30, $0x4  }
0x87: {  	[tilespmem:s26], [sflag:$0x1] =	stream.linear.gather [hbm4b:s6+s2], $0x80, $0x38;
	[tilespmem:$0x18200] =	vst v63  }
0x88: {  	s17 =	sadd.s32 s3, s29;
	s8 =	spop (v2sf);
	s14 =	sand.u32 $0x1FFFFFF0, s7  }
0x89: {  	[tilespmem:s25], [sflag:$0x1] =	stream.linear.gather [hbm4b:s10+s2], $0x80, $0x38;
	[tilespmem:$0x18200] =	vst v63  }
0x8a: {  	s15 =	sshll.u32 s8, $0x4;
	s23 =	sadd.s32 s3, s14;
	s22 =	spop (v2sf)  }
0x8b: {  	[tilespmem:s24], [sflag:$0x1] =	stream.linear.gather [hbm4b:s17+s2], $0x80, $0x38;
	[tilespmem:$0x18200] =	vst v63  }
0x8c: {  	s19 =	sand.u32 $0x1FFFFFF0, s15;
	s24 =	sshll.u32 s22, $0x4;
	s25 =	spop (v2sf)  }
0x8d: {  	[tilespmem:s21], [sflag:$0x1] =	stream.linear.gather [hbm4b:s23+s2], $0x80, $0x38;
	[tilespmem:$0x18200] =	vst v63  }
0x8e: {  	s26 =	sadd.s32 s3, s19;
	s1 =	sand.u32 $0x1FFFFFF0, s24;
	s28 =	sshll.u32 s25, $0x4  }
0x8f: {  	[tilespmem:s20], [sflag:$0x1] =	stream.linear.gather [hbm4b:s26+s2], $0x80, $0x38;
	[tilespmem:$0x18200] =	vst v63  }
0x90: {  	s29 =	sadd.s32 $0x900, s18;
	s1 =	sadd.s32 s3, s1;
	s5 =	sand.u32 $0x1FFFFFF0, s28  }
0x91: {  	[tilespmem:s29], [sflag:$0x1] =	stream.linear.gather [hbm4b:s1+s2], $0x80, $0x38;
	[tilespmem:$0x18200] =	vst v63  }
0x92: {  	s30 =	sadd.s32 $0x980, s18;
	s31 =	sadd.s32 s3, s5  }
0x93: {  	[tilespmem:s30], [sflag:$0x1] =	stream.linear.gather [hbm4b:s31+s2], $0x80, $0x38;
	[tilespmem:$0x18200] =	vst v63  }
0x94: {  	_ =	swait.ge [sflag:s12], $0x10000  }
0x95: {  	[sflag:s12] =	ssyncset.done $0x0  }
0x96: {  	[sflag:s12] =	ssyncadd.s32 $0xFFFF0000  }
0x97: {  	_ =	swait.ge [sflag:s13], $0x8000  }
0x98: {  	[sflag:s13] =	ssyncset.done $0x0  }
0x99: {  	s0 =	simm.s32 $0x0;
	[sflag:s13] =	ssyncadd.s32 $0xFFFF8000  }
0x9a: {  	v2 =	vld [tilespmem:s0+$0x10200]  }
0x9b: {  	v3 =	vld [tilespmem:s0+$0x10210]  }
0x9c: {  	v1 =	vld [tilespmem:s0+$0x10220]  }
0x9d: {  	v0 =	vld [tilespmem:s0+$0x10230]  }
0x9e: {  	v5 =	vld [tilespmem:s0+$0x200]  }
0x9f: {  	v6 =	vld [tilespmem:s0+$0x210]  }
0xa0: {  	s1 =	simm.s32 $0x200;
	v4 =	vld [tilespmem:s0+$0x220]  }
.LBB2_4:
0xa1: {  	p0 =	sne.s32 s1, $0x1FE00;
	v7 =	vld [tilespmem:s0+$0x230];
	_ =	sdelay $0x1  }
0xa2: {  	s5 =	sshra.s32 s1, $0x2;
	v5 =	vadd.f32 v2, v5  }
0xa3: {  	v2 =	vld [tilespmem:s5+$0x10200];
	v6 =	vadd.f32 v3, v6  }
0xa4: {  	v3 =	vld [tilespmem:s5+$0x10210];
	v5 =	vmul.f32 $8.000000000e+00, v5;
	v4 =	vadd.f32 v1, v4  }
.Ltmp1:
0xa5: {  	v1 =	vld [tilespmem:s5+$0x10220];
	v6 =	vmul.f32 $8.000000000e+00, v6;
	v7 =	vadd.f32 v0, v7;
	(pc) =	sbr.rel @p0 .LBB2_4-.Ltmp1, $4  }
0xa6: {  	v0 =	vld [tilespmem:s5+$0x10230];
	[tilespmem:s0+$0x200] =	vst v5;
	v4 =	vmul.f32 $8.000000000e+00, v4  }
0xa7: {  	v5 =	vld [tilespmem:s5+$0x200];
	[tilespmem:s0+$0x210] =	vst v6;
	v7 =	vmul.f32 $8.000000000e+00, v7  }
0xa8: {  	v6 =	vld [tilespmem:s5+$0x210];
	[tilespmem:s0+$0x220] =	vst v4  }
0xa9: {  	s1 =	sadd.s32 $0x200, s1;
	v4 =	vld [tilespmem:s5+$0x220];
	[tilespmem:s0+$0x230] =	vst v7;
	s0 =	smov.u32 s5  }
0xaa: {  	v7 =	vld [tilespmem:s0+$0x230];
	_ =	sdelay $0x1  }
0xab: {  	v2 =	vadd.f32 v2, v5  }
0xac: {  	v3 =	vadd.f32 v3, v6  }
0xad: {  	v2 =	vmul.f32 $8.000000000e+00, v2;
	v1 =	vadd.f32 v1, v4  }
0xae: {  	v3 =	vmul.f32 $8.000000000e+00, v3;
	v0 =	vadd.f32 v0, v7  }
0xaf: {  	[tilespmem:s0+$0x200] =	vst v2;
	v1 =	vmul.f32 $8.000000000e+00, v1  }
0xb0: {  	[tilespmem:s0+$0x210] =	vst v3;
	v0 =	vmul.f32 $8.000000000e+00, v0  }
0xb1: {  	[tilespmem:s0+$0x220] =	vst v1  }
0xb2: {  	s30 =	simm.s32 $0x0;
	s1 =	rddreg [dreg:$0x4];
	s5 =	simm.s32 $0x200;
	[tilespmem:s0+$0x230] =	vst v0  }
0xb3: {  	[hbm4b:s1+s30] =	stream.linear.scatter [tilespmem:s5], [sflag:$0x1], $0x8000, $0x38;
	[tilespmem:$0x18200] =	vst v63  }
0xb4: {  	s31 =	rddreg [dreg:$0x5];
	s6 =	simm.s32 $0x10200  }
0xb5: {  	[tilespmem:s6], [sflag:$0x3] =	stream.linear.gather [hbm4b:s31+s30], $0x8000, $0x38;
	[tilespmem:$0x18200] =	vst v63  }
0xb6: {  	_ =	swait.ge [sflag:s11], $0x8000  }
0xb7: {  	[sflag:s11] =	ssyncset.done $0x0  }
0xb8: {  	s0 =	simm.s32 $0x0;
	[sflag:s11] =	ssyncadd.s32 $0xFFFF8000  }
0xb9: {  	v2 =	vld [tilespmem:s0+$0x10200]  }
0xba: {  	v3 =	vld [tilespmem:s0+$0x10210]  }
0xbb: {  	v1 =	vld [tilespmem:s0+$0x10220]  }
0xbc: {  	v0 =	vld [tilespmem:s0+$0x10230]  }
0xbd: {  	v5 =	vld [tilespmem:s0+$0x8200]  }
0xbe: {  	v6 =	vld [tilespmem:s0+$0x8210]  }
0xbf: {  	s1 =	simm.s32 $0x200;
	v4 =	vld [tilespmem:s0+$0x8220]  }
.LBB2_6:
0xc0: {  	p0 =	sne.s32 s1, $0x1FE00;
	v7 =	vld [tilespmem:s0+$0x8230];
	_ =	sdelay $0x1  }
0xc1: {  	s5 =	sshra.s32 s1, $0x2;
	v5 =	vadd.f32 v2, v5  }
0xc2: {  	v2 =	vld [tilespmem:s5+$0x10200];
	v6 =	vadd.f32 v3, v6  }
0xc3: {  	v3 =	vld [tilespmem:s5+$0x10210];
	v5 =	vmul.f32 $8.000000000e+00, v5;
	v4 =	vadd.f32 v1, v4  }
.Ltmp2:
0xc4: {  	v1 =	vld [tilespmem:s5+$0x10220];
	v6 =	vmul.f32 $8.000000000e+00, v6;
	v7 =	vadd.f32 v0, v7;
	(pc) =	sbr.rel @p0 .LBB2_6-.Ltmp2, $4  }
0xc5: {  	v0 =	vld [tilespmem:s5+$0x10230];
	[tilespmem:s0+$0x8200] =	vst v5;
	v4 =	vmul.f32 $8.000000000e+00, v4  }
0xc6: {  	v5 =	vld [tilespmem:s5+$0x8200];
	[tilespmem:s0+$0x8210] =	vst v6;
	v7 =	vmul.f32 $8.000000000e+00, v7  }
0xc7: {  	v6 =	vld [tilespmem:s5+$0x8210];
	[tilespmem:s0+$0x8220] =	vst v4  }
0xc8: {  	s1 =	sadd.s32 $0x200, s1;
	v4 =	vld [tilespmem:s5+$0x8220];
	[tilespmem:s0+$0x8230] =	vst v7;
	s0 =	smov.u32 s5  }
0xc9: {  	v7 =	vld [tilespmem:s0+$0x8230];
	_ =	sdelay $0x1  }
0xca: {  	v2 =	vadd.f32 v2, v5  }
0xcb: {  	v3 =	vadd.f32 v3, v6  }
0xcc: {  	v2 =	vmul.f32 $8.000000000e+00, v2;
	v1 =	vadd.f32 v1, v4  }
0xcd: {  	v3 =	vmul.f32 $8.000000000e+00, v3;
	v0 =	vadd.f32 v0, v7  }
0xce: {  	[tilespmem:s0+$0x8200] =	vst v2;
	v1 =	vmul.f32 $8.000000000e+00, v1  }
0xcf: {  	[tilespmem:s0+$0x8210] =	vst v3;
	v0 =	vmul.f32 $8.000000000e+00, v0  }
0xd0: {  	[tilespmem:s0+$0x8220] =	vst v1  }
0xd1: {  	[tilespmem:s0+$0x8230] =	vst v0  }
0xd2: {  	s16 =	sadd.s32 $0x1, s16;
	_ =	swait.ge [sflag:s12], $0x8000  }
0xd3: {  	s1 =	simm.s32 $0x8200;
	p0 =	sne.s32 s16, s9;
	[sflag:s12] =	ssyncset.done $0x0  }
.Ltmp3:
0xd4: {  	s31 =	rddreg [dreg:$0x6];
	[sflag:s12] =	ssyncadd.s32 $0xFFFF8000;
	(pc) =	sbr.rel @p0 .LBB2_1-.Ltmp3, $4  }
0xd5: {  	[hbm4b:s31+s2] =	stream.linear.scatter [tilespmem:s1], [sflag:$0x3], $0x8000, $0x38;
	[tilespmem:$0x18200] =	vst v63  }
0xd6: {  	_ =	swait.ge [sflag:s11], $0x8000  }
0xd7: {  	[sflag:s11] =	ssyncset.done $0x0  }
0xd8: {  	[sflag:s11] =	ssyncadd.s32 $0xFFFF8000  }
0xd9: {  	_ =	sfence.sel $0x180000  }
0xda: {  	[bflag:$0x0] =	sbarrier.arrive $0xFFFF  }
0xdb: {  	_ =	strace $0x90000047  }
0xdc: {  	s0 =	stileid.u32;
	[bflag:$0x2] =	sbarrier.arrive $0xFFFF  }
0xdd: {  	p0 =	sne.s32 s0, $0x0;
	s0 =	rddreg [dreg:$0x2]  }
0xde: {  	s0 =	sadd.s32 @!p0 $0x100000, s0  }
0xdf: {  	[sflag:s0] =	ssyncadd.tile.s32 @!p0 $0x1;
	_ =	shalt  }
.Lfunc_end2:
_tile_overlayer_lowered:
.L_overlay_start_2:
0xe0: {  	(tag) =	ssettag $0x2  }
0xe1: {  	s0 =	rddreg [dreg:$0x0];
	s2 =	stileid.u32  }
0xe2: {  	s1 =	rddreg [dreg:$0x1];
	p0 =	sne.s32 s2, $0x0  }
0xe3: {  	s3 =	rddreg [dreg:$0x2];
	[bflag:$0x3] =	sbarrier.arrive $0xFFFF;
	s2 =	simm.s32 @!p0 $0x1C03  }
0xe4: {  	[timem:s3], [sflag:s2] =	dma.local @!p0 [hbm:s0], s1  }
0xe5: {  	s0 =	simm.s32 @!p0 $0x3  }
0xe6: {  	_ =	swait.ge @!p0 [sflag:s0], s1  }
0xe7: {  	s1 =	ssub.s32 @!p0 $0x0, s1;
	[sflag:s0] =	ssyncset.done @!p0 $0x0  }
0xe8: {  	[sflag:s0] =	ssyncadd.s32 @!p0 s1  }
0xe9: {  	[bflag:$0x3] =	sbarrier.arrive $0xFFFF  }
0xea: {  	_ =	shalt  }

</sc_bundles>
